<compile_context>
chip_gen: v7x
topology: tpu7x:2x2x1
jax: 0.10.2.dev20260603
libtpu: 0.0.44.dev20260713+nightly
codegen_flags: <defaults>
</compile_context>

<pallas_src>
import functools

import jax
import jax.numpy as jnp
from jax import lax
from jax.experimental import pallas as pl
from jax.experimental.pallas import tpu as pltpu
from jax.experimental.pallas import tpu_sc as plsc

WORD_NUM = 1000000
EMBED = 64
HIDDEN = 64
LABELS = 128
BATCH = 4096
SEQ = 200

_HI_MASK = -65536

_INFO = plsc.get_sparse_core_info()
NC = _INFO.num_cores
NS = _INFO.num_subcores
NW = NC * NS
SPT = BATCH // NW
HWORDS = LABELS // 2

CHUNKS = ((0, 104), (104, 96))


def _fold_body(wh_ref, bh_ref, wo_ref, bo_ref, wf_ref, bf_ref):
    wf = jnp.dot(wh_ref[...], wo_ref[...], preferred_element_type=jnp.float32)
    wf_ref[...] = wf * (1.0 / SEQ)
    bf_ref[...] = (
        jnp.dot(bh_ref[...], wo_ref[...], preferred_element_type=jnp.float32)
        + bo_ref[...]
    )


def _fold(W_h, b_h, W_o, b_o):
    return pl.pallas_call(
        _fold_body,
        out_shape=(
            jax.ShapeDtypeStruct((EMBED, LABELS), jnp.float32),
            jax.ShapeDtypeStruct((1, LABELS), jnp.float32),
        ),
    )(W_h, b_h.reshape(1, HIDDEN), W_o, b_o.reshape(1, LABELS))


_VBLK = 32768
_VBLK2 = _VBLK // 2
_NBLK = -(-WORD_NUM // _VBLK)
_TROWS = _NBLK * _VBLK2
_QROWS = 2 * _TROWS


def _bf16_bits(x):
    b = lax.bitcast_convert_type(x.astype(jnp.bfloat16), jnp.uint16)
    return b.astype(jnp.uint32)


def _table_body(embt_ref, wf_ref, o_ref):
    wf = wf_ref[...].astype(jnp.bfloat16)
    embt = embt_ref[...].astype(jnp.bfloat16)

    def words(cols):
        lo = lax.dot_general(
            cols, wf[:, :HWORDS],
            (((0,), (0,)), ((), ())),
            preferred_element_type=jnp.float32,
        )
        hi = lax.dot_general(
            cols, wf[:, HWORDS:],
            (((0,), (0,)), ((), ())),
            preferred_element_type=jnp.float32,
        )
        return _bf16_bits(lo) | (_bf16_bits(hi) << 16)

    w = jnp.concatenate(
        [words(embt[:, :_VBLK2]), words(embt[:, _VBLK2:])], axis=1
    )
    o_ref[...] = lax.bitcast_convert_type(w, jnp.int32)


def _table(embt, wf):
    return pl.pallas_call(
        _table_body,
        grid=(_NBLK,),
        in_specs=[
            pl.BlockSpec((EMBED, _VBLK), lambda i: (0, i)),
            pl.BlockSpec((EMBED, LABELS), lambda i: (0, 0)),
        ],
        out_specs=pl.BlockSpec((_VBLK2, LABELS), lambda i: (i, 0)),
        out_shape=jax.ShapeDtypeStruct((_TROWS, LABELS), jnp.int32),
    )(embt, wf)


def _pool_body(x_hbm, tab_hbm, bf_hbm, out_hbm, idx_v, rows_v, acc_v, bf_v, sem0, sem1, sem2, sem3):
    wid = lax.axis_index("s") * NC + lax.axis_index("c")
    pltpu.sync_copy(x_hbm.at[pl.ds(wid * SPT * SEQ, SPT * SEQ)], idx_v)
    pltpu.sync_copy(bf_hbm, bf_v)

    sems = (sem0, sem1, sem2, sem3)
    nbuf = len(sems)

    def issue(s, b):
        for off, n in CHUNKS:
            pltpu.async_copy(
                tab_hbm.at[idx_v.at[pl.ds(s * SEQ + off, n)]],
                rows_v.at[b, pl.ds(off, n)],
                sems[b],
            )

    def drain(b):
        for off, n in CHUNKS:
            pltpu.make_async_copy(
                tab_hbm.at[idx_v.at[pl.ds(off, n)]],
                rows_v.at[b, pl.ds(off, n)],
                sems[b],
            ).wait()

    zero = jnp.zeros((16,), jnp.float32)
    bias = [bf_v[pl.ds(16 * m, 16)] for m in range(LABELS // 16)]
    nk = HWORDS // 16

    def reduce_store(s, b):
        def red(r, accs):
            out = list(accs)
            for k in range(nk):
                w = rows_v[b, r, pl.ds(16 * k, 16)]
                e = plsc.bitcast(w << 16, jnp.float32)
                o = plsc.bitcast(w & jnp.int32(_HI_MASK), jnp.float32)
                out[k] = out[k] + e
                out[nk + k] = out[nk + k] + o
            return tuple(out)

        accs = lax.fori_loop(0, SEQ, red, (zero,) * (LABELS // 16))
        for m in range(LABELS // 16):
            acc_v[pl.ds(s * LABELS + 16 * m, 16)] = accs[m] + bias[m]

    for b in range(4):
        issue(b, b)

    def group_body(p, carry):
        s0 = nbuf * p
        for b in range(nbuf):
            s = s0 + b
            drain(b)
            reduce_store(s, b)

            @pl.when(s + nbuf < SPT)
            def _():
                issue(s + nbuf, b)

        return carry

    lax.fori_loop(0, SPT // nbuf, group_body, 0)
    pltpu.sync_copy(acc_v, out_hbm.at[pl.ds(wid * SPT * LABELS, SPT * LABELS)])


@functools.partial(jax.jit, static_argnames=())
def _pool(x, tab, bf):
    mesh = plsc.VectorSubcoreMesh(core_axis_name="c", subcore_axis_name="s")
    return pl.kernel(
        _pool_body,
        out_type=jax.ShapeDtypeStruct((BATCH * LABELS,), jnp.float32),
        mesh=mesh,
        compiler_params=pltpu.CompilerParams(
            use_tc_tiling_on_sc=False, needs_layout_passes=False
        ),
        scratch_types=[
            pltpu.VMEM((SPT * SEQ,), jnp.int32),
            pltpu.VMEM((4, SEQ, HWORDS), jnp.int32),
            pltpu.VMEM((SPT * LABELS,), jnp.float32),
            pltpu.VMEM((LABELS,), jnp.float32),
            pltpu.SemaphoreType.DMA,
            pltpu.SemaphoreType.DMA,
            pltpu.SemaphoreType.DMA,
            pltpu.SemaphoreType.DMA,
        ],
    )(x, tab, bf)


def kernel(X, emb, W_h, b_h, W_o, b_o):
    wf, bf = _fold(W_h, b_h, W_o, b_o)
    tab = _table(emb.T, wf).reshape(_QROWS, HWORDS)
    v = X.astype(jnp.int32)
    q = ((v >> 15) << 15) + ((v & (_VBLK2 - 1)) << 1) + ((v & (_VBLK - 1)) >> 14)
    out = _pool(q.reshape(-1), tab, bf.reshape(-1))
    return out.reshape(BATCH, LABELS)

# --- scband reference (transcript-rebuilt; emitter-appended) ---
"""Pipeline reference for scband-fast-text-1005022347641 (READ-ONLY COPY).

The authoritative reference and input builder live on the scoring server;
editing this copy changes nothing except your own understanding.
"""

import jax, jax.numpy as jnp
import numpy as np

WORD_NUM = 1000000
EMBED = 64
HIDDEN = 64
LABELS = 128
BATCH = 4096
SEQ = 200

def setup_inputs(seed: int = 0) -> dict:
    key = jax.random.key(seed)
    k1, k2, k3, k4, k5, k6 = jax.random.split(key, 6)
    X = jax.random.randint(k1, (BATCH, SEQ), 0, WORD_NUM, dtype=jnp.int64 if jax.config.jax_enable_x64 else jnp.int32)
    emb = jax.random.normal(k2, (WORD_NUM, EMBED), dtype=jnp.float32)
    W_h = jax.random.normal(k3, (EMBED, HIDDEN), dtype=jnp.float32) * 0.05
    b_h = jax.random.normal(k4, (HIDDEN,), dtype=jnp.float32) * 0.05
    W_o = jax.random.normal(k5, (HIDDEN, LABELS), dtype=jnp.float32) * 0.05
    b_o = jax.random.normal(k6, (LABELS,), dtype=jnp.float32) * 0.05
    return {"X": X, "emb": emb, "W_h": W_h, "b_h": b_h, "W_o": W_o, "b_o": b_o}

def reference(X, emb, W_h, b_h, W_o, b_o):
    # embedding lookup: [B, S, E]
    embed_tokens = jnp.take(emb, X, axis=0)
    # mean over sequence dim, squeeze (no-op for B>1)
    embed_sequences = jnp.mean(embed_tokens, axis=1)
    embed_sequences = jnp.squeeze(embed_sequences)
    # hidden linear
    hidden = embed_sequences @ W_h + b_h
    # output linear
    outputs = hidden @ W_o + b_o
    return outputs

if __name__ == "__main__":
    import jax
    _d = setup_inputs()
    print(jax.jit(kernel)(*tuple(_d.values())))

</pallas_src>

<mosaic_0001>
#map = affine_map<(d0, d1) -> (0)>
#map1 = affine_map<(d0, d1) -> (0, 0)>
module attributes {stable_mosaic.version = 14 : i64} {
  func.func @_pool_body(%arg0: i32, %arg1: i32, %arg2: memref<819200xi32, #tpu.memory_space<hbm>>, %arg3: memref<1015808x64xi32, #tpu.memory_space<hbm>>, %arg4: memref<128xf32, #tpu.memory_space<hbm>>, %arg5: memref<524288xf32, #tpu.memory_space<hbm>>, %arg6: memref<25600xi32, #tpu.memory_space<vmem>>, %arg7: memref<4x200x64xi32, #tpu.memory_space<vmem>>, %arg8: memref<16384xf32, #tpu.memory_space<vmem>>, %arg9: memref<128xf32, #tpu.memory_space<vmem>>, %arg10: memref<!tpu.dma_semaphore, #tpu.memory_space<semaphore_mem>>, %arg11: memref<!tpu.dma_semaphore, #tpu.memory_space<semaphore_mem>>, %arg12: memref<!tpu.dma_semaphore, #tpu.memory_space<semaphore_mem>>, %arg13: memref<!tpu.dma_semaphore, #tpu.memory_space<semaphore_mem>>) attributes {dimension_semantics = [#tpu.dimension_semantics<core_parallel>, #tpu.dimension_semantics<subcore_parallel>], iteration_bounds = array<i64: 2, 16>, scalar_prefetch = 0 : i64, scratch_operands = 8 : i64, tpu.core_type = #tpu.core_type<sc_vector_subcore>, window_params = [{transform_indices = #map}, {transform_indices = #map1}, {transform_indices = #map}, {transform_indices = #map}]} {
    %mul3A = arith.constant 2 : i32
    %mul3A_0 = arith.muli %arg1, %mul3A : i32
    %add3A = arith.addi %mul3A_0, %arg0 : i32
    %mul3A_1 = arith.constant 128 : i32
    %mul3A_2 = arith.muli %add3A, %mul3A_1 : i32
    %mul3A_3 = arith.constant 200 : i32
    %mul3A_4 = arith.muli %mul3A_2, %mul3A_3 : i32
    "tpu.region"() ({
      %run_scoped3A = tpu.sem_alloc : memref<!tpu.dma_semaphore, #tpu.memory_space<semaphore_mem>>
      %dma_start3A_109 = tpu.memref_slice %arg2[%mul3A_4] : memref<819200xi32, #tpu.memory_space<hbm>> -> memref<25600xi32, #tpu.memory_space<hbm>>
      %dma_start3A_110 = tpu.memref_slice %arg2[%mul3A_4] : memref<819200xi32, #tpu.memory_space<hbm>> -> memref<25600xi32, #tpu.memory_space<hbm>>
      tpu.enqueue_dma source(%dma_start3A_110 : memref<25600xi32, #tpu.memory_space<hbm>>) target(%arg6 : memref<25600xi32, #tpu.memory_space<vmem>>) target_semaphore(%run_scoped3A : memref<!tpu.dma_semaphore, #tpu.memory_space<semaphore_mem>>)
      %dma_wait3A = tpu.memref_slice %arg2[%mul3A_4] : memref<819200xi32, #tpu.memory_space<hbm>> -> memref<25600xi32, #tpu.memory_space<hbm>>
      %dma_wait3A_111 = tpu.memref_slice %arg2[%mul3A_4] : memref<819200xi32, #tpu.memory_space<hbm>> -> memref<25600xi32, #tpu.memory_space<hbm>>
      tpu.wait_dma2 semaphore(%run_scoped3A : memref<!tpu.dma_semaphore, #tpu.memory_space<semaphore_mem>>) src(%dma_wait3A_111 : memref<25600xi32, #tpu.memory_space<hbm>>) dst(%arg6 : memref<25600xi32, #tpu.memory_space<vmem>>)
      tpu.yield
    }) : () -> ()
    "tpu.region"() ({
      %run_scoped3A = tpu.sem_alloc : memref<!tpu.dma_semaphore, #tpu.memory_space<semaphore_mem>>
      tpu.enqueue_dma source(%arg4 : memref<128xf32, #tpu.memory_space<hbm>>) target(%arg9 : memref<128xf32, #tpu.memory_space<vmem>>) target_semaphore(%run_scoped3A : memref<!tpu.dma_semaphore, #tpu.memory_space<semaphore_mem>>)
      tpu.wait_dma2 semaphore(%run_scoped3A : memref<!tpu.dma_semaphore, #tpu.memory_space<semaphore_mem>>) src(%arg4 : memref<128xf32, #tpu.memory_space<hbm>>) dst(%arg9 : memref<128xf32, #tpu.memory_space<vmem>>)
      tpu.yield
    }) : () -> ()
    %broadcast_in_dim3A = arith.constant 0.000000e+00 : f32
    %broadcast_in_dim3A_5 = vector.broadcast %broadcast_in_dim3A : f32 to vector<16xf32>
    %get3A = arith.constant 0 : index
    %get3A_6 = tpu.vector_load %arg9[%get3A] {strides = array<i32>} : memref<128xf32, #tpu.memory_space<vmem>>, vector<16xf32>,
    %get3A_7 = arith.constant 16 : index
    %get3A_8 = tpu.vector_load %arg9[%get3A_7] {strides = array<i32>} : memref<128xf32, #tpu.memory_space<vmem>>, vector<16xf32>,
    %get3A_9 = arith.constant 32 : index
    %get3A_10 = tpu.vector_load %arg9[%get3A_9] {strides = array<i32>} : memref<128xf32, #tpu.memory_space<vmem>>, vector<16xf32>,
    %get3A_11 = arith.constant 48 : index
    %get3A_12 = tpu.vector_load %arg9[%get3A_11] {strides = array<i32>} : memref<128xf32, #tpu.memory_space<vmem>>, vector<16xf32>,
    %get3A_13 = arith.constant 64 : index
    %get3A_14 = tpu.vector_load %arg9[%get3A_13] {strides = array<i32>} : memref<128xf32, #tpu.memory_space<vmem>>, vector<16xf32>,
    %get3A_15 = arith.constant 80 : index
    %get3A_16 = tpu.vector_load %arg9[%get3A_15] {strides = array<i32>} : memref<128xf32, #tpu.memory_space<vmem>>, vector<16xf32>,
    %get3A_17 = arith.constant 96 : index
    %get3A_18 = tpu.vector_load %arg9[%get3A_17] {strides = array<i32>} : memref<128xf32, #tpu.memory_space<vmem>>, vector<16xf32>,
    %get3A_19 = arith.constant 112 : index
    %get3A_20 = tpu.vector_load %arg9[%get3A_19] {strides = array<i32>} : memref<128xf32, #tpu.memory_space<vmem>>, vector<16xf32>,
    %dma_start3A = arith.constant 0 : i32
    %dma_start3A_21 = arith.constant 0 : i32
    %dma_start3A_22 = arith.constant 0 : i32
    %dma_start3A_23 = tpu.memref_slice %arg7[%dma_start3A, %dma_start3A_21, %dma_start3A_22] : memref<4x200x64xi32, #tpu.memory_space<vmem>> -> memref<1x104x64xi32, #tpu.memory_space<vmem>>
    %dma_start3A_24 = tpu.memref_squeeze %dma_start3A_23 : memref<1x104x64xi32, #tpu.memory_space<vmem>> -> memref<104x64xi32, #tpu.memory_space<vmem>>
    %dma_start3A_25 = arith.constant 0 : i32
    %dma_start3A_26 = tpu.memref_slice %arg6[%dma_start3A_25] : memref<25600xi32, #tpu.memory_space<vmem>> -> memref<104xi32, #tpu.memory_space<vmem>>
    %dma_start3A_27 = arith.constant 0 : i32
    %dma_start3A_28 = arith.constant 0 : i32
    %dma_start3A_29 = tpu.memref_slice %arg3[%dma_start3A_27, %dma_start3A_28] : memref<1015808x64xi32, #tpu.memory_space<hbm>> -> memref<1015808x64xi32, #tpu.memory_space<hbm>>
    tpu.enqueue_indirect_dma source(%dma_start3A_29 : memref<1015808x64xi32, #tpu.memory_space<hbm>>) target(%dma_start3A_24 : memref<104x64xi32, #tpu.memory_space<vmem>>) offsets(%dma_start3A_26 : memref<104xi32, #tpu.memory_space<vmem>>) semaphore(%arg10 : memref<!tpu.dma_semaphore, #tpu.memory_space<semaphore_mem>>)
    %dma_start3A_30 = arith.constant 0 : i32
    %dma_start3A_31 = arith.constant 104 : i32
    %dma_start3A_32 = arith.constant 0 : i32
    %dma_start3A_33 = tpu.memref_slice %arg7[%dma_start3A_30, %dma_start3A_31, %dma_start3A_32] : memref<4x200x64xi32, #tpu.memory_space<vmem>> -> memref<1x96x64xi32, #tpu.memory_space<vmem>>
    %dma_start3A_34 = tpu.memref_squeeze %dma_start3A_33 : memref<1x96x64xi32, #tpu.memory_space<vmem>> -> memref<96x64xi32, #tpu.memory_space<vmem>>
    %dma_start3A_35 = arith.constant 104 : i32
    %dma_start3A_36 = tpu.memref_slice %arg6[%dma_start3A_35] : memref<25600xi32, #tpu.memory_space<vmem>> -> memref<96xi32, #tpu.memory_space<vmem>>
    %dma_start3A_37 = arith.constant 0 : i32
    %dma_start3A_38 = arith.constant 0 : i32
    %dma_start3A_39 = tpu.memref_slice %arg3[%dma_start3A_37, %dma_start3A_38] : memref<1015808x64xi32, #tpu.memory_space<hbm>> -> memref<1015808x64xi32, #tpu.memory_space<hbm>>
    tpu.enqueue_indirect_dma source(%dma_start3A_39 : memref<1015808x64xi32, #tpu.memory_space<hbm>>) target(%dma_start3A_34 : memref<96x64xi32, #tpu.memory_space<vmem>>) offsets(%dma_start3A_36 : memref<96xi32, #tpu.memory_space<vmem>>) semaphore(%arg10 : memref<!tpu.dma_semaphore, #tpu.memory_space<semaphore_mem>>)
    %dma_start3A_40 = arith.constant 1 : i32
    %dma_start3A_41 = arith.constant 0 : i32
    %dma_start3A_42 = arith.constant 0 : i32
    %dma_start3A_43 = tpu.memref_slice %arg7[%dma_start3A_40, %dma_start3A_41, %dma_start3A_42] : memref<4x200x64xi32, #tpu.memory_space<vmem>> -> memref<1x104x64xi32, #tpu.memory_space<vmem>>
    %dma_start3A_44 = tpu.memref_squeeze %dma_start3A_43 : memref<1x104x64xi32, #tpu.memory_space<vmem>> -> memref<104x64xi32, #tpu.memory_space<vmem>>
    %dma_start3A_45 = arith.constant 200 : i32
    %dma_start3A_46 = tpu.memref_slice %arg6[%dma_start3A_45] : memref<25600xi32, #tpu.memory_space<vmem>> -> memref<104xi32, #tpu.memory_space<vmem>>
    %dma_start3A_47 = arith.constant 0 : i32
    %dma_start3A_48 = arith.constant 0 : i32
    %dma_start3A_49 = tpu.memref_slice %arg3[%dma_start3A_47, %dma_start3A_48] : memref<1015808x64xi32, #tpu.memory_space<hbm>> -> memref<1015808x64xi32, #tpu.memory_space<hbm>>
    tpu.enqueue_indirect_dma source(%dma_start3A_49 : memref<1015808x64xi32, #tpu.memory_space<hbm>>) target(%dma_start3A_44 : memref<104x64xi32, #tpu.memory_space<vmem>>) offsets(%dma_start3A_46 : memref<104xi32, #tpu.memory_space<vmem>>) semaphore(%arg11 : memref<!tpu.dma_semaphore, #tpu.memory_space<semaphore_mem>>)
    %dma_start3A_50 = arith.constant 1 : i32
    %dma_start3A_51 = arith.constant 104 : i32
    %dma_start3A_52 = arith.constant 0 : i32
    %dma_start3A_53 = tpu.memref_slice %arg7[%dma_start3A_50, %dma_start3A_51, %dma_start3A_52] : memref<4x200x64xi32, #tpu.memory_space<vmem>> -> memref<1x96x64xi32, #tpu.memory_space<vmem>>
    %dma_start3A_54 = tpu.memref_squeeze %dma_start3A_53 : memref<1x96x64xi32, #tpu.memory_space<vmem>> -> memref<96x64xi32, #tpu.memory_space<vmem>>
    %dma_start3A_55 = arith.constant 304 : i32
    %dma_start3A_56 = tpu.memref_slice %arg6[%dma_start3A_55] : memref<25600xi32, #tpu.memory_space<vmem>> -> memref<96xi32, #tpu.memory_space<vmem>>
    %dma_start3A_57 = arith.constant 0 : i32
    %dma_start3A_58 = arith.constant 0 : i32
    %dma_start3A_59 = tpu.memref_slice %arg3[%dma_start3A_57, %dma_start3A_58] : memref<1015808x64xi32, #tpu.memory_space<hbm>> -> memref<1015808x64xi32, #tpu.memory_space<hbm>>
    tpu.enqueue_indirect_dma source(%dma_start3A_59 : memref<1015808x64xi32, #tpu.memory_space<hbm>>) target(%dma_start3A_54 : memref<96x64xi32, #tpu.memory_space<vmem>>) offsets(%dma_start3A_56 : memref<96xi32, #tpu.memory_space<vmem>>) semaphore(%arg11 : memref<!tpu.dma_semaphore, #tpu.memory_space<semaphore_mem>>)
    %dma_start3A_60 = arith.constant 2 : i32
    %dma_start3A_61 = arith.constant 0 : i32
    %dma_start3A_62 = arith.constant 0 : i32
    %dma_start3A_63 = tpu.memref_slice %arg7[%dma_start3A_60, %dma_start3A_61, %dma_start3A_62] : memref<4x200x64xi32, #tpu.memory_space<vmem>> -> memref<1x104x64xi32, #tpu.memory_space<vmem>>
    %dma_start3A_64 = tpu.memref_squeeze %dma_start3A_63 : memref<1x104x64xi32, #tpu.memory_space<vmem>> -> memref<104x64xi32, #tpu.memory_space<vmem>>
    %dma_start3A_65 = arith.constant 400 : i32
    %dma_start3A_66 = tpu.memref_slice %arg6[%dma_start3A_65] : memref<25600xi32, #tpu.memory_space<vmem>> -> memref<104xi32, #tpu.memory_space<vmem>>
    %dma_start3A_67 = arith.constant 0 : i32
    %dma_start3A_68 = arith.constant 0 : i32
    %dma_start3A_69 = tpu.memref_slice %arg3[%dma_start3A_67, %dma_start3A_68] : memref<1015808x64xi32, #tpu.memory_space<hbm>> -> memref<1015808x64xi32, #tpu.memory_space<hbm>>
    tpu.enqueue_indirect_dma source(%dma_start3A_69 : memref<1015808x64xi32, #tpu.memory_space<hbm>>) target(%dma_start3A_64 : memref<104x64xi32, #tpu.memory_space<vmem>>) offsets(%dma_start3A_66 : memref<104xi32, #tpu.memory_space<vmem>>) semaphore(%arg12 : memref<!tpu.dma_semaphore, #tpu.memory_space<semaphore_mem>>)
    %dma_start3A_70 = arith.constant 2 : i32
    %dma_start3A_71 = arith.constant 104 : i32
    %dma_start3A_72 = arith.constant 0 : i32
    %dma_start3A_73 = tpu.memref_slice %arg7[%dma_start3A_70, %dma_start3A_71, %dma_start3A_72] : memref<4x200x64xi32, #tpu.memory_space<vmem>> -> memref<1x96x64xi32, #tpu.memory_space<vmem>>
    %dma_start3A_74 = tpu.memref_squeeze %dma_start3A_73 : memref<1x96x64xi32, #tpu.memory_space<vmem>> -> memref<96x64xi32, #tpu.memory_space<vmem>>
    %dma_start3A_75 = arith.constant 504 : i32
    %dma_start3A_76 = tpu.memref_slice %arg6[%dma_start3A_75] : memref<25600xi32, #tpu.memory_space<vmem>> -> memref<96xi32, #tpu.memory_space<vmem>>
    %dma_start3A_77 = arith.constant 0 : i32
    %dma_start3A_78 = arith.constant 0 : i32
    %dma_start3A_79 = tpu.memref_slice %arg3[%dma_start3A_77, %dma_start3A_78] : memref<1015808x64xi32, #tpu.memory_space<hbm>> -> memref<1015808x64xi32, #tpu.memory_space<hbm>>
    tpu.enqueue_indirect_dma source(%dma_start3A_79 : memref<1015808x64xi32, #tpu.memory_space<hbm>>) target(%dma_start3A_74 : memref<96x64xi32, #tpu.memory_space<vmem>>) offsets(%dma_start3A_76 : memref<96xi32, #tpu.memory_space<vmem>>) semaphore(%arg12 : memref<!tpu.dma_semaphore, #tpu.memory_space<semaphore_mem>>)
    %dma_start3A_80 = arith.constant 3 : i32
    %dma_start3A_81 = arith.constant 0 : i32
    %dma_start3A_82 = arith.constant 0 : i32
    %dma_start3A_83 = tpu.memref_slice %arg7[%dma_start3A_80, %dma_start3A_81, %dma_start3A_82] : memref<4x200x64xi32, #tpu.memory_space<vmem>> -> memref<1x104x64xi32, #tpu.memory_space<vmem>>
    %dma_start3A_84 = tpu.memref_squeeze %dma_start3A_83 : memref<1x104x64xi32, #tpu.memory_space<vmem>> -> memref<104x64xi32, #tpu.memory_space<vmem>>
    %dma_start3A_85 = arith.constant 600 : i32
    %dma_start3A_86 = tpu.memref_slice %arg6[%dma_start3A_85] : memref<25600xi32, #tpu.memory_space<vmem>> -> memref<104xi32, #tpu.memory_space<vmem>>
    %dma_start3A_87 = arith.constant 0 : i32
    %dma_start3A_88 = arith.constant 0 : i32
    %dma_start3A_89 = tpu.memref_slice %arg3[%dma_start3A_87, %dma_start3A_88] : memref<1015808x64xi32, #tpu.memory_space<hbm>> -> memref<1015808x64xi32, #tpu.memory_space<hbm>>
    tpu.enqueue_indirect_dma source(%dma_start3A_89 : memref<1015808x64xi32, #tpu.memory_space<hbm>>) target(%dma_start3A_84 : memref<104x64xi32, #tpu.memory_space<vmem>>) offsets(%dma_start3A_86 : memref<104xi32, #tpu.memory_space<vmem>>) semaphore(%arg13 : memref<!tpu.dma_semaphore, #tpu.memory_space<semaphore_mem>>)
    %dma_start3A_90 = arith.constant 3 : i32
    %dma_start3A_91 = arith.constant 104 : i32
    %dma_start3A_92 = arith.constant 0 : i32
    %dma_start3A_93 = tpu.memref_slice %arg7[%dma_start3A_90, %dma_start3A_91, %dma_start3A_92] : memref<4x200x64xi32, #tpu.memory_space<vmem>> -> memref<1x96x64xi32, #tpu.memory_space<vmem>>
    %dma_start3A_94 = tpu.memref_squeeze %dma_start3A_93 : memref<1x96x64xi32, #tpu.memory_space<vmem>> -> memref<96x64xi32, #tpu.memory_space<vmem>>
    %dma_start3A_95 = arith.constant 704 : i32
    %dma_start3A_96 = tpu.memref_slice %arg6[%dma_start3A_95] : memref<25600xi32, #tpu.memory_space<vmem>> -> memref<96xi32, #tpu.memory_space<vmem>>
    %dma_start3A_97 = arith.constant 0 : i32
    %dma_start3A_98 = arith.constant 0 : i32
    %dma_start3A_99 = tpu.memref_slice %arg3[%dma_start3A_97, %dma_start3A_98] : memref<1015808x64xi32, #tpu.memory_space<hbm>> -> memref<1015808x64xi32, #tpu.memory_space<hbm>>
    tpu.enqueue_indirect_dma source(%dma_start3A_99 : memref<1015808x64xi32, #tpu.memory_space<hbm>>) target(%dma_start3A_94 : memref<96x64xi32, #tpu.memory_space<vmem>>) offsets(%dma_start3A_96 : memref<96xi32, #tpu.memory_space<vmem>>) semaphore(%arg13 : memref<!tpu.dma_semaphore, #tpu.memory_space<semaphore_mem>>)
    %scan3A = arith.constant 0 : i32
    %scan3A_100 = arith.constant 0 : i32
    %scan3A_101 = arith.constant 32 : i32
    %scan3A_102 = arith.addi %scan3A_100, %scan3A_101 : i32
    %scan3A_103 = arith.constant 1 : i32
    scf.for %scan3A_109 = %scan3A_100 to %scan3A_102 step %scan3A_103  : i32 {
      %mul3A_110 = arith.constant 4 : i32
      %mul3A_111 = arith.muli %mul3A_110, %scan3A_109 : i32
      %add3A_112 = arith.constant 0 : i32
      %add3A_113 = arith.addi %mul3A_111, %add3A_112 : i32
      %dma_wait3A = arith.constant 0 : i32
      %dma_wait3A_114 = arith.constant 0 : i32
      %dma_wait3A_115 = arith.constant 0 : i32
      %dma_wait3A_116 = tpu.memref_slice %arg7[%dma_wait3A, %dma_wait3A_114, %dma_wait3A_115] : memref<4x200x64xi32, #tpu.memory_space<vmem>> -> memref<1x104x64xi32, #tpu.memory_space<vmem>>
      %dma_wait3A_117 = tpu.memref_squeeze %dma_wait3A_116 : memref<1x104x64xi32, #tpu.memory_space<vmem>> -> memref<104x64xi32, #tpu.memory_space<vmem>>
      %dma_wait3A_118 = arith.constant 0 : i32
      %dma_wait3A_119 = tpu.memref_slice %arg6[%dma_wait3A_118] : memref<25600xi32, #tpu.memory_space<vmem>> -> memref<104xi32, #tpu.memory_space<vmem>>
      %dma_wait3A_120 = arith.constant 0 : i32
      %dma_wait3A_121 = arith.constant 0 : i32
      %dma_wait3A_122 = tpu.memref_slice %arg3[%dma_wait3A_120, %dma_wait3A_121] : memref<1015808x64xi32, #tpu.memory_space<hbm>> -> memref<1015808x64xi32, #tpu.memory_space<hbm>>
      tpu.wait_indirect_dma semaphore(%arg10 : memref<!tpu.dma_semaphore, #tpu.memory_space<semaphore_mem>>) src(%dma_wait3A_122 : memref<1015808x64xi32, #tpu.memory_space<hbm>>) dst(%dma_wait3A_117 : memref<104x64xi32, #tpu.memory_space<vmem>>)
      %dma_wait3A_123 = arith.constant 0 : i32
      %dma_wait3A_124 = arith.constant 104 : i32
      %dma_wait3A_125 = arith.constant 0 : i32
      %dma_wait3A_126 = tpu.memref_slice %arg7[%dma_wait3A_123, %dma_wait3A_124, %dma_wait3A_125] : memref<4x200x64xi32, #tpu.memory_space<vmem>> -> memref<1x96x64xi32, #tpu.memory_space<vmem>>
      %dma_wait3A_127 = tpu.memref_squeeze %dma_wait3A_126 : memref<1x96x64xi32, #tpu.memory_space<vmem>> -> memref<96x64xi32, #tpu.memory_space<vmem>>
      %dma_wait3A_128 = arith.constant 104 : i32
      %dma_wait3A_129 = tpu.memref_slice %arg6[%dma_wait3A_128] : memref<25600xi32, #tpu.memory_space<vmem>> -> memref<96xi32, #tpu.memory_space<vmem>>
      %dma_wait3A_130 = arith.constant 0 : i32
      %dma_wait3A_131 = arith.constant 0 : i32
      %dma_wait3A_132 = tpu.memref_slice %arg3[%dma_wait3A_130, %dma_wait3A_131] : memref<1015808x64xi32, #tpu.memory_space<hbm>> -> memref<1015808x64xi32, #tpu.memory_space<hbm>>
      tpu.wait_indirect_dma semaphore(%arg10 : memref<!tpu.dma_semaphore, #tpu.memory_space<semaphore_mem>>) src(%dma_wait3A_132 : memref<1015808x64xi32, #tpu.memory_space<hbm>>) dst(%dma_wait3A_127 : memref<96x64xi32, #tpu.memory_space<vmem>>)
      %scan3A_133 = arith.constant 0 : i32
      %scan3A_134 = arith.constant 200 : i32
      %scan3A_135 = arith.addi %scan3A_133, %scan3A_134 : i32
      %scan3A_136 = arith.constant 1 : i32
      %scan3A_137:8 = scf.for %scan3A_471 = %scan3A_133 to %scan3A_135 step %scan3A_136 iter_args(%scan3A_472 = %broadcast_in_dim3A_5, %scan3A_473 = %broadcast_in_dim3A_5, %scan3A_474 = %broadcast_in_dim3A_5, %scan3A_475 = %broadcast_in_dim3A_5, %scan3A_476 = %broadcast_in_dim3A_5, %scan3A_477 = %broadcast_in_dim3A_5, %scan3A_478 = %broadcast_in_dim3A_5, %scan3A_479 = %broadcast_in_dim3A_5) -> (vector<16xf32>, vector<16xf32>, vector<16xf32>, vector<16xf32>, vector<16xf32>, vector<16xf32>, vector<16xf32>, vector<16xf32>)  : i32 {
        %get3A_480 = arith.constant 0 : i32
        %get3A_481 = arith.index_cast %get3A_480 : i32 to index
        %get3A_482 = arith.index_cast %scan3A_471 : i32 to index
        %get3A_483 = arith.constant 0 : index
        %get3A_484 = tpu.vector_load %arg7[%get3A_481, %get3A_482, %get3A_483] {strides = array<i32>} : memref<4x200x64xi32, #tpu.memory_space<vmem>>, vector<16xi32>,
        %shift_left3A = arith.constant 16 : i32
        %shift_left3A_485 = vector.broadcast %shift_left3A : i32 to vector<16xi32>
        %shift_left3A_486 = arith.shli %get3A_484, %shift_left3A_485 : vector<16xi32>
        %bitcast3A = vector.bitcast %shift_left3A_486 : vector<16xi32> to vector<16xf32>
        %and3A = arith.constant -65536 : i32
        %and3A_487 = vector.broadcast %and3A : i32 to vector<16xi32>
        %and3A_488 = arith.andi %get3A_484, %and3A_487 : vector<16xi32>
        %bitcast3A_489 = vector.bitcast %and3A_488 : vector<16xi32> to vector<16xf32>
        %add3A_490 = arith.addf %scan3A_472, %bitcast3A : vector<16xf32>
        %add3A_491 = arith.addf %scan3A_476, %bitcast3A_489 : vector<16xf32>
        %get3A_492 = arith.constant 0 : i32
        %get3A_493 = arith.index_cast %get3A_492 : i32 to index
        %get3A_494 = arith.index_cast %scan3A_471 : i32 to index
        %get3A_495 = arith.constant 16 : index
        %get3A_496 = tpu.vector_load %arg7[%get3A_493, %get3A_494, %get3A_495] {strides = array<i32>} : memref<4x200x64xi32, #tpu.memory_space<vmem>>, vector<16xi32>,
        %shift_left3A_497 = arith.constant 16 : i32
        %shift_left3A_498 = vector.broadcast %shift_left3A_497 : i32 to vector<16xi32>
        %shift_left3A_499 = arith.shli %get3A_496, %shift_left3A_498 : vector<16xi32>
        %bitcast3A_500 = vector.bitcast %shift_left3A_499 : vector<16xi32> to vector<16xf32>
        %and3A_501 = arith.constant -65536 : i32
        %and3A_502 = vector.broadcast %and3A_501 : i32 to vector<16xi32>
        %and3A_503 = arith.andi %get3A_496, %and3A_502 : vector<16xi32>
        %bitcast3A_504 = vector.bitcast %and3A_503 : vector<16xi32> to vector<16xf32>
        %add3A_505 = arith.addf %scan3A_473, %bitcast3A_500 : vector<16xf32>
        %add3A_506 = arith.addf %scan3A_477, %bitcast3A_504 : vector<16xf32>
        %get3A_507 = arith.constant 0 : i32
        %get3A_508 = arith.index_cast %get3A_507 : i32 to index
        %get3A_509 = arith.index_cast %scan3A_471 : i32 to index
        %get3A_510 = arith.constant 32 : index
        %get3A_511 = tpu.vector_load %arg7[%get3A_508, %get3A_509, %get3A_510] {strides = array<i32>} : memref<4x200x64xi32, #tpu.memory_space<vmem>>, vector<16xi32>,
        %shift_left3A_512 = arith.constant 16 : i32
        %shift_left3A_513 = vector.broadcast %shift_left3A_512 : i32 to vector<16xi32>
        %shift_left3A_514 = arith.shli %get3A_511, %shift_left3A_513 : vector<16xi32>
        %bitcast3A_515 = vector.bitcast %shift_left3A_514 : vector<16xi32> to vector<16xf32>
        %and3A_516 = arith.constant -65536 : i32
        %and3A_517 = vector.broadcast %and3A_516 : i32 to vector<16xi32>
        %and3A_518 = arith.andi %get3A_511, %and3A_517 : vector<16xi32>
        %bitcast3A_519 = vector.bitcast %and3A_518 : vector<16xi32> to vector<16xf32>
        %add3A_520 = arith.addf %scan3A_474, %bitcast3A_515 : vector<16xf32>
        %add3A_521 = arith.addf %scan3A_478, %bitcast3A_519 : vector<16xf32>
        %get3A_522 = arith.constant 0 : i32
        %get3A_523 = arith.index_cast %get3A_522 : i32 to index
        %get3A_524 = arith.index_cast %scan3A_471 : i32 to index
        %get3A_525 = arith.constant 48 : index
        %get3A_526 = tpu.vector_load %arg7[%get3A_523, %get3A_524, %get3A_525] {strides = array<i32>} : memref<4x200x64xi32, #tpu.memory_space<vmem>>, vector<16xi32>,
        %shift_left3A_527 = arith.constant 16 : i32
        %shift_left3A_528 = vector.broadcast %shift_left3A_527 : i32 to vector<16xi32>
        %shift_left3A_529 = arith.shli %get3A_526, %shift_left3A_528 : vector<16xi32>
        %bitcast3A_530 = vector.bitcast %shift_left3A_529 : vector<16xi32> to vector<16xf32>
        %and3A_531 = arith.constant -65536 : i32
        %and3A_532 = vector.broadcast %and3A_531 : i32 to vector<16xi32>
        %and3A_533 = arith.andi %get3A_526, %and3A_532 : vector<16xi32>
        %bitcast3A_534 = vector.bitcast %and3A_533 : vector<16xi32> to vector<16xf32>
        %add3A_535 = arith.addf %scan3A_475, %bitcast3A_530 : vector<16xf32>
        %add3A_536 = arith.addf %scan3A_479, %bitcast3A_534 : vector<16xf32>
        scf.yield %add3A_490, %add3A_505, %add3A_520, %add3A_535, %add3A_491, %add3A_506, %add3A_521, %add3A_536 : vector<16xf32>, vector<16xf32>, vector<16xf32>, vector<16xf32>, vector<16xf32>, vector<16xf32>, vector<16xf32>, vector<16xf32>
      }
      %scan3A_138 = arith.constant 200 : i32
      %add3A_139 = arith.addf %scan3A_137#0, %get3A_6 : vector<16xf32>
      %mul3A_140 = arith.constant 128 : i32
      %mul3A_141 = arith.muli %add3A_113, %mul3A_140 : i32
      %add3A_142 = arith.constant 0 : i32
      %add3A_143 = arith.addi %mul3A_141, %add3A_142 : i32
      %swap3A = arith.index_cast %add3A_143 : i32 to index
      %swap3A_144 = tpu.vector_load %arg8[%swap3A] {strides = array<i32>} : memref<16384xf32, #tpu.memory_space<vmem>>, vector<16xf32>,
      tpu.vector_store %arg8[%swap3A], %add3A_139 {strides = array<i32>} : memref<16384xf32, #tpu.memory_space<vmem>>, vector<16xf32>,
      %add3A_145 = arith.addf %scan3A_137#1, %get3A_8 : vector<16xf32>
      %mul3A_146 = arith.constant 128 : i32
      %mul3A_147 = arith.muli %add3A_113, %mul3A_146 : i32
      %add3A_148 = arith.constant 16 : i32
      %add3A_149 = arith.addi %mul3A_147, %add3A_148 : i32
      %swap3A_150 = arith.index_cast %add3A_149 : i32 to index
      %swap3A_151 = tpu.vector_load %arg8[%swap3A_150] {strides = array<i32>} : memref<16384xf32, #tpu.memory_space<vmem>>, vector<16xf32>,
      tpu.vector_store %arg8[%swap3A_150], %add3A_145 {strides = array<i32>} : memref<16384xf32, #tpu.memory_space<vmem>>, vector<16xf32>,
      %add3A_152 = arith.addf %scan3A_137#2, %get3A_10 : vector<16xf32>
      %mul3A_153 = arith.constant 128 : i32
      %mul3A_154 = arith.muli %add3A_113, %mul3A_153 : i32
      %add3A_155 = arith.constant 32 : i32
      %add3A_156 = arith.addi %mul3A_154, %add3A_155 : i32
      %swap3A_157 = arith.index_cast %add3A_156 : i32 to index
      %swap3A_158 = tpu.vector_load %arg8[%swap3A_157] {strides = array<i32>} : memref<16384xf32, #tpu.memory_space<vmem>>, vector<16xf32>,
      tpu.vector_store %arg8[%swap3A_157], %add3A_152 {strides = array<i32>} : memref<16384xf32, #tpu.memory_space<vmem>>, vector<16xf32>,
      %add3A_159 = arith.addf %scan3A_137#3, %get3A_12 : vector<16xf32>
      %mul3A_160 = arith.constant 128 : i32
      %mul3A_161 = arith.muli %add3A_113, %mul3A_160 : i32
      %add3A_162 = arith.constant 48 : i32
      %add3A_163 = arith.addi %mul3A_161, %add3A_162 : i32
      %swap3A_164 = arith.index_cast %add3A_163 : i32 to index
      %swap3A_165 = tpu.vector_load %arg8[%swap3A_164] {strides = array<i32>} : memref<16384xf32, #tpu.memory_space<vmem>>, vector<16xf32>,
      tpu.vector_store %arg8[%swap3A_164], %add3A_159 {strides = array<i32>} : memref<16384xf32, #tpu.memory_space<vmem>>, vector<16xf32>,
      %add3A_166 = arith.addf %scan3A_137#4, %get3A_14 : vector<16xf32>
      %mul3A_167 = arith.constant 128 : i32
      %mul3A_168 = arith.muli %add3A_113, %mul3A_167 : i32
      %add3A_169 = arith.constant 64 : i32
      %add3A_170 = arith.addi %mul3A_168, %add3A_169 : i32
      %swap3A_171 = arith.index_cast %add3A_170 : i32 to index
      %swap3A_172 = tpu.vector_load %arg8[%swap3A_171] {strides = array<i32>} : memref<16384xf32, #tpu.memory_space<vmem>>, vector<16xf32>,
      tpu.vector_store %arg8[%swap3A_171], %add3A_166 {strides = array<i32>} : memref<16384xf32, #tpu.memory_space<vmem>>, vector<16xf32>,
      %add3A_173 = arith.addf %scan3A_137#5, %get3A_16 : vector<16xf32>
      %mul3A_174 = arith.constant 128 : i32
      %mul3A_175 = arith.muli %add3A_113, %mul3A_174 : i32
      %add3A_176 = arith.constant 80 : i32
      %add3A_177 = arith.addi %mul3A_175, %add3A_176 : i32
      %swap3A_178 = arith.index_cast %add3A_177 : i32 to index
      %swap3A_179 = tpu.vector_load %arg8[%swap3A_178] {strides = array<i32>} : memref<16384xf32, #tpu.memory_space<vmem>>, vector<16xf32>,
      tpu.vector_store %arg8[%swap3A_178], %add3A_173 {strides = array<i32>} : memref<16384xf32, #tpu.memory_space<vmem>>, vector<16xf32>,
      %add3A_180 = arith.addf %scan3A_137#6, %get3A_18 : vector<16xf32>
      %mul3A_181 = arith.constant 128 : i32
      %mul3A_182 = arith.muli %add3A_113, %mul3A_181 : i32
      %add3A_183 = arith.constant 96 : i32
      %add3A_184 = arith.addi %mul3A_182, %add3A_183 : i32
      %swap3A_185 = arith.index_cast %add3A_184 : i32 to index
      %swap3A_186 = tpu.vector_load %arg8[%swap3A_185] {strides = array<i32>} : memref<16384xf32, #tpu.memory_space<vmem>>, vector<16xf32>,
      tpu.vector_store %arg8[%swap3A_185], %add3A_180 {strides = array<i32>} : memref<16384xf32, #tpu.memory_space<vmem>>, vector<16xf32>,
      %add3A_187 = arith.addf %scan3A_137#7, %get3A_20 : vector<16xf32>
      %mul3A_188 = arith.constant 128 : i32
      %mul3A_189 = arith.muli %add3A_113, %mul3A_188 : i32
      %add3A_190 = arith.constant 112 : i32
      %add3A_191 = arith.addi %mul3A_189, %add3A_190 : i32
      %swap3A_192 = arith.index_cast %add3A_191 : i32 to index
      %swap3A_193 = tpu.vector_load %arg8[%swap3A_192] {strides = array<i32>} : memref<16384xf32, #tpu.memory_space<vmem>>, vector<16xf32>,
      tpu.vector_store %arg8[%swap3A_192], %add3A_187 {strides = array<i32>} : memref<16384xf32, #tpu.memory_space<vmem>>, vector<16xf32>,
      %add3A_194 = arith.constant 4 : i32
      %add3A_195 = arith.addi %add3A_113, %add3A_194 : i32
      %lt3A = arith.constant 128 : i32
      %lt3A_196 = arith.cmpi slt, %add3A_195, %lt3A : i32
      %convert_element_type3A = arith.extui %lt3A_196 : i1 to i32
      %cond3A = arith.constant 0 : i32
      %cond3A_197 = arith.cmpi ne, %convert_element_type3A, %cond3A : i32
      scf.if %cond3A_197 {
        %add3A_471 = arith.constant 4 : i32
        %add3A_472 = arith.addi %add3A_113, %add3A_471 : i32
        %mul3A_473 = arith.constant 200 : i32
        %mul3A_474 = arith.muli %add3A_472, %mul3A_473 : i32
        %add3A_475 = arith.constant 0 : i32
        %add3A_476 = arith.addi %mul3A_474, %add3A_475 : i32
        %dma_start3A_477 = arith.constant 0 : i32
        %dma_start3A_478 = arith.constant 0 : i32
        %dma_start3A_479 = arith.constant 0 : i32
        %dma_start3A_480 = tpu.memref_slice %arg7[%dma_start3A_477, %dma_start3A_478, %dma_start3A_479] : memref<4x200x64xi32, #tpu.memory_space<vmem>> -> memref<1x104x64xi32, #tpu.memory_space<vmem>>
        %dma_start3A_481 = tpu.memref_squeeze %dma_start3A_480 : memref<1x104x64xi32, #tpu.memory_space<vmem>> -> memref<104x64xi32, #tpu.memory_space<vmem>>
        %dma_start3A_482 = tpu.memref_slice %arg6[%add3A_476] : memref<25600xi32, #tpu.memory_space<vmem>> -> memref<104xi32, #tpu.memory_space<vmem>>
        %dma_start3A_483 = arith.constant 0 : i32
        %dma_start3A_484 = arith.constant 0 : i32
        %dma_start3A_485 = tpu.memref_slice %arg3[%dma_start3A_483, %dma_start3A_484] : memref<1015808x64xi32, #tpu.memory_space<hbm>> -> memref<1015808x64xi32, #tpu.memory_space<hbm>>
        tpu.enqueue_indirect_dma source(%dma_start3A_485 : memref<1015808x64xi32, #tpu.memory_space<hbm>>) target(%dma_start3A_481 : memref<104x64xi32, #tpu.memory_space<vmem>>) offsets(%dma_start3A_482 : memref<104xi32, #tpu.memory_space<vmem>>) semaphore(%arg10 : memref<!tpu.dma_semaphore, #tpu.memory_space<semaphore_mem>>)
        %mul3A_486 = arith.constant 200 : i32
        %mul3A_487 = arith.muli %add3A_472, %mul3A_486 : i32
        %add3A_488 = arith.constant 104 : i32
        %add3A_489 = arith.addi %mul3A_487, %add3A_488 : i32
        %dma_start3A_490 = arith.constant 0 : i32
        %dma_start3A_491 = arith.constant 104 : i32
        %dma_start3A_492 = arith.constant 0 : i32
        %dma_start3A_493 = tpu.memref_slice %arg7[%dma_start3A_490, %dma_start3A_491, %dma_start3A_492] : memref<4x200x64xi32, #tpu.memory_space<vmem>> -> memref<1x96x64xi32, #tpu.memory_space<vmem>>
        %dma_start3A_494 = tpu.memref_squeeze %dma_start3A_493 : memref<1x96x64xi32, #tpu.memory_space<vmem>> -> memref<96x64xi32, #tpu.memory_space<vmem>>
        %dma_start3A_495 = tpu.memref_slice %arg6[%add3A_489] : memref<25600xi32, #tpu.memory_space<vmem>> -> memref<96xi32, #tpu.memory_space<vmem>>
        %dma_start3A_496 = arith.constant 0 : i32
        %dma_start3A_497 = arith.constant 0 : i32
        %dma_start3A_498 = tpu.memref_slice %arg3[%dma_start3A_496, %dma_start3A_497] : memref<1015808x64xi32, #tpu.memory_space<hbm>> -> memref<1015808x64xi32, #tpu.memory_space<hbm>>
        tpu.enqueue_indirect_dma source(%dma_start3A_498 : memref<1015808x64xi32, #tpu.memory_space<hbm>>) target(%dma_start3A_494 : memref<96x64xi32, #tpu.memory_space<vmem>>) offsets(%dma_start3A_495 : memref<96xi32, #tpu.memory_space<vmem>>) semaphore(%arg10 : memref<!tpu.dma_semaphore, #tpu.memory_space<semaphore_mem>>)
      } else {
      }
      %add3A_198 = arith.constant 1 : i32
      %add3A_199 = arith.addi %mul3A_111, %add3A_198 : i32
      %dma_wait3A_200 = arith.constant 1 : i32
      %dma_wait3A_201 = arith.constant 0 : i32
      %dma_wait3A_202 = arith.constant 0 : i32
      %dma_wait3A_203 = tpu.memref_slice %arg7[%dma_wait3A_200, %dma_wait3A_201, %dma_wait3A_202] : memref<4x200x64xi32, #tpu.memory_space<vmem>> -> memref<1x104x64xi32, #tpu.memory_space<vmem>>
      %dma_wait3A_204 = tpu.memref_squeeze %dma_wait3A_203 : memref<1x104x64xi32, #tpu.memory_space<vmem>> -> memref<104x64xi32, #tpu.memory_space<vmem>>
      %dma_wait3A_205 = arith.constant 0 : i32
      %dma_wait3A_206 = tpu.memref_slice %arg6[%dma_wait3A_205] : memref<25600xi32, #tpu.memory_space<vmem>> -> memref<104xi32, #tpu.memory_space<vmem>>
      %dma_wait3A_207 = arith.constant 0 : i32
      %dma_wait3A_208 = arith.constant 0 : i32
      %dma_wait3A_209 = tpu.memref_slice %arg3[%dma_wait3A_207, %dma_wait3A_208] : memref<1015808x64xi32, #tpu.memory_space<hbm>> -> memref<1015808x64xi32, #tpu.memory_space<hbm>>
      tpu.wait_indirect_dma semaphore(%arg11 : memref<!tpu.dma_semaphore, #tpu.memory_space<semaphore_mem>>) src(%dma_wait3A_209 : memref<1015808x64xi32, #tpu.memory_space<hbm>>) dst(%dma_wait3A_204 : memref<104x64xi32, #tpu.memory_space<vmem>>)
      %dma_wait3A_210 = arith.constant 1 : i32
      %dma_wait3A_211 = arith.constant 104 : i32
      %dma_wait3A_212 = arith.constant 0 : i32
      %dma_wait3A_213 = tpu.memref_slice %arg7[%dma_wait3A_210, %dma_wait3A_211, %dma_wait3A_212] : memref<4x200x64xi32, #tpu.memory_space<vmem>> -> memref<1x96x64xi32, #tpu.memory_space<vmem>>
      %dma_wait3A_214 = tpu.memref_squeeze %dma_wait3A_213 : memref<1x96x64xi32, #tpu.memory_space<vmem>> -> memref<96x64xi32, #tpu.memory_space<vmem>>
      %dma_wait3A_215 = arith.constant 104 : i32
      %dma_wait3A_216 = tpu.memref_slice %arg6[%dma_wait3A_215] : memref<25600xi32, #tpu.memory_space<vmem>> -> memref<96xi32, #tpu.memory_space<vmem>>
      %dma_wait3A_217 = arith.constant 0 : i32
      %dma_wait3A_218 = arith.constant 0 : i32
      %dma_wait3A_219 = tpu.memref_slice %arg3[%dma_wait3A_217, %dma_wait3A_218] : memref<1015808x64xi32, #tpu.memory_space<hbm>> -> memref<1015808x64xi32, #tpu.memory_space<hbm>>
      tpu.wait_indirect_dma semaphore(%arg11 : memref<!tpu.dma_semaphore, #tpu.memory_space<semaphore_mem>>) src(%dma_wait3A_219 : memref<1015808x64xi32, #tpu.memory_space<hbm>>) dst(%dma_wait3A_214 : memref<96x64xi32, #tpu.memory_space<vmem>>)
      %scan3A_220 = arith.constant 0 : i32
      %scan3A_221 = arith.constant 200 : i32
      %scan3A_222 = arith.addi %scan3A_220, %scan3A_221 : i32
      %scan3A_223 = arith.constant 1 : i32
      %scan3A_224:8 = scf.for %scan3A_471 = %scan3A_220 to %scan3A_222 step %scan3A_223 iter_args(%scan3A_472 = %broadcast_in_dim3A_5, %scan3A_473 = %broadcast_in_dim3A_5, %scan3A_474 = %broadcast_in_dim3A_5, %scan3A_475 = %broadcast_in_dim3A_5, %scan3A_476 = %broadcast_in_dim3A_5, %scan3A_477 = %broadcast_in_dim3A_5, %scan3A_478 = %broadcast_in_dim3A_5, %scan3A_479 = %broadcast_in_dim3A_5) -> (vector<16xf32>, vector<16xf32>, vector<16xf32>, vector<16xf32>, vector<16xf32>, vector<16xf32>, vector<16xf32>, vector<16xf32>)  : i32 {
        %get3A_480 = arith.constant 1 : i32
        %get3A_481 = arith.index_cast %get3A_480 : i32 to index
        %get3A_482 = arith.index_cast %scan3A_471 : i32 to index
        %get3A_483 = arith.constant 0 : index
        %get3A_484 = tpu.vector_load %arg7[%get3A_481, %get3A_482, %get3A_483] {strides = array<i32>} : memref<4x200x64xi32, #tpu.memory_space<vmem>>, vector<16xi32>,
        %shift_left3A = arith.constant 16 : i32
        %shift_left3A_485 = vector.broadcast %shift_left3A : i32 to vector<16xi32>
        %shift_left3A_486 = arith.shli %get3A_484, %shift_left3A_485 : vector<16xi32>
        %bitcast3A = vector.bitcast %shift_left3A_486 : vector<16xi32> to vector<16xf32>
        %and3A = arith.constant -65536 : i32
        %and3A_487 = vector.broadcast %and3A : i32 to vector<16xi32>
        %and3A_488 = arith.andi %get3A_484, %and3A_487 : vector<16xi32>
        %bitcast3A_489 = vector.bitcast %and3A_488 : vector<16xi32> to vector<16xf32>
        %add3A_490 = arith.addf %scan3A_472, %bitcast3A : vector<16xf32>
        %add3A_491 = arith.addf %scan3A_476, %bitcast3A_489 : vector<16xf32>
        %get3A_492 = arith.constant 1 : i32
        %get3A_493 = arith.index_cast %get3A_492 : i32 to index
        %get3A_494 = arith.index_cast %scan3A_471 : i32 to index
        %get3A_495 = arith.constant 16 : index
        %get3A_496 = tpu.vector_load %arg7[%get3A_493, %get3A_494, %get3A_495] {strides = array<i32>} : memref<4x200x64xi32, #tpu.memory_space<vmem>>, vector<16xi32>,
        %shift_left3A_497 = arith.constant 16 : i32
        %shift_left3A_498 = vector.broadcast %shift_left3A_497 : i32 to vector<16xi32>
        %shift_left3A_499 = arith.shli %get3A_496, %shift_left3A_498 : vector<16xi32>
        %bitcast3A_500 = vector.bitcast %shift_left3A_499 : vector<16xi32> to vector<16xf32>
        %and3A_501 = arith.constant -65536 : i32
        %and3A_502 = vector.broadcast %and3A_501 : i32 to vector<16xi32>
        %and3A_503 = arith.andi %get3A_496, %and3A_502 : vector<16xi32>
        %bitcast3A_504 = vector.bitcast %and3A_503 : vector<16xi32> to vector<16xf32>
        %add3A_505 = arith.addf %scan3A_473, %bitcast3A_500 : vector<16xf32>
        %add3A_506 = arith.addf %scan3A_477, %bitcast3A_504 : vector<16xf32>
        %get3A_507 = arith.constant 1 : i32
        %get3A_508 = arith.index_cast %get3A_507 : i32 to index
        %get3A_509 = arith.index_cast %scan3A_471 : i32 to index
        %get3A_510 = arith.constant 32 : index
        %get3A_511 = tpu.vector_load %arg7[%get3A_508, %get3A_509, %get3A_510] {strides = array<i32>} : memref<4x200x64xi32, #tpu.memory_space<vmem>>, vector<16xi32>,
        %shift_left3A_512 = arith.constant 16 : i32
        %shift_left3A_513 = vector.broadcast %shift_left3A_512 : i32 to vector<16xi32>
        %shift_left3A_514 = arith.shli %get3A_511, %shift_left3A_513 : vector<16xi32>
        %bitcast3A_515 = vector.bitcast %shift_left3A_514 : vector<16xi32> to vector<16xf32>
        %and3A_516 = arith.constant -65536 : i32
        %and3A_517 = vector.broadcast %and3A_516 : i32 to vector<16xi32>
        %and3A_518 = arith.andi %get3A_511, %and3A_517 : vector<16xi32>
        %bitcast3A_519 = vector.bitcast %and3A_518 : vector<16xi32> to vector<16xf32>
        %add3A_520 = arith.addf %scan3A_474, %bitcast3A_515 : vector<16xf32>
        %add3A_521 = arith.addf %scan3A_478, %bitcast3A_519 : vector<16xf32>
        %get3A_522 = arith.constant 1 : i32
        %get3A_523 = arith.index_cast %get3A_522 : i32 to index
        %get3A_524 = arith.index_cast %scan3A_471 : i32 to index
        %get3A_525 = arith.constant 48 : index
        %get3A_526 = tpu.vector_load %arg7[%get3A_523, %get3A_524, %get3A_525] {strides = array<i32>} : memref<4x200x64xi32, #tpu.memory_space<vmem>>, vector<16xi32>,
        %shift_left3A_527 = arith.constant 16 : i32
        %shift_left3A_528 = vector.broadcast %shift_left3A_527 : i32 to vector<16xi32>
        %shift_left3A_529 = arith.shli %get3A_526, %shift_left3A_528 : vector<16xi32>
        %bitcast3A_530 = vector.bitcast %shift_left3A_529 : vector<16xi32> to vector<16xf32>
        %and3A_531 = arith.constant -65536 : i32
        %and3A_532 = vector.broadcast %and3A_531 : i32 to vector<16xi32>
        %and3A_533 = arith.andi %get3A_526, %and3A_532 : vector<16xi32>
        %bitcast3A_534 = vector.bitcast %and3A_533 : vector<16xi32> to vector<16xf32>
        %add3A_535 = arith.addf %scan3A_475, %bitcast3A_530 : vector<16xf32>
        %add3A_536 = arith.addf %scan3A_479, %bitcast3A_534 : vector<16xf32>
        scf.yield %add3A_490, %add3A_505, %add3A_520, %add3A_535, %add3A_491, %add3A_506, %add3A_521, %add3A_536 : vector<16xf32>, vector<16xf32>, vector<16xf32>, vector<16xf32>, vector<16xf32>, vector<16xf32>, vector<16xf32>, vector<16xf32>
      }
      %scan3A_225 = arith.constant 200 : i32
      %add3A_226 = arith.addf %scan3A_224#0, %get3A_6 : vector<16xf32>
      %mul3A_227 = arith.constant 128 : i32
      %mul3A_228 = arith.muli %add3A_199, %mul3A_227 : i32
      %add3A_229 = arith.constant 0 : i32
      %add3A_230 = arith.addi %mul3A_228, %add3A_229 : i32
      %swap3A_231 = arith.index_cast %add3A_230 : i32 to index
      %swap3A_232 = tpu.vector_load %arg8[%swap3A_231] {strides = array<i32>} : memref<16384xf32, #tpu.memory_space<vmem>>, vector<16xf32>,
      tpu.vector_store %arg8[%swap3A_231], %add3A_226 {strides = array<i32>} : memref<16384xf32, #tpu.memory_space<vmem>>, vector<16xf32>,
      %add3A_233 = arith.addf %scan3A_224#1, %get3A_8 : vector<16xf32>
      %mul3A_234 = arith.constant 128 : i32
      %mul3A_235 = arith.muli %add3A_199, %mul3A_234 : i32
      %add3A_236 = arith.constant 16 : i32
      %add3A_237 = arith.addi %mul3A_235, %add3A_236 : i32
      %swap3A_238 = arith.index_cast %add3A_237 : i32 to index
      %swap3A_239 = tpu.vector_load %arg8[%swap3A_238] {strides = array<i32>} : memref<16384xf32, #tpu.memory_space<vmem>>, vector<16xf32>,
      tpu.vector_store %arg8[%swap3A_238], %add3A_233 {strides = array<i32>} : memref<16384xf32, #tpu.memory_space<vmem>>, vector<16xf32>,
      %add3A_240 = arith.addf %scan3A_224#2, %get3A_10 : vector<16xf32>
      %mul3A_241 = arith.constant 128 : i32
      %mul3A_242 = arith.muli %add3A_199, %mul3A_241 : i32
      %add3A_243 = arith.constant 32 : i32
      %add3A_244 = arith.addi %mul3A_242, %add3A_243 : i32
      %swap3A_245 = arith.index_cast %add3A_244 : i32 to index
      %swap3A_246 = tpu.vector_load %arg8[%swap3A_245] {strides = array<i32>} : memref<16384xf32, #tpu.memory_space<vmem>>, vector<16xf32>,
      tpu.vector_store %arg8[%swap3A_245], %add3A_240 {strides = array<i32>} : memref<16384xf32, #tpu.memory_space<vmem>>, vector<16xf32>,
      %add3A_247 = arith.addf %scan3A_224#3, %get3A_12 : vector<16xf32>
      %mul3A_248 = arith.constant 128 : i32
      %mul3A_249 = arith.muli %add3A_199, %mul3A_248 : i32
      %add3A_250 = arith.constant 48 : i32
      %add3A_251 = arith.addi %mul3A_249, %add3A_250 : i32
      %swap3A_252 = arith.index_cast %add3A_251 : i32 to index
      %swap3A_253 = tpu.vector_load %arg8[%swap3A_252] {strides = array<i32>} : memref<16384xf32, #tpu.memory_space<vmem>>, vector<16xf32>,
      tpu.vector_store %arg8[%swap3A_252], %add3A_247 {strides = array<i32>} : memref<16384xf32, #tpu.memory_space<vmem>>, vector<16xf32>,
      %add3A_254 = arith.addf %scan3A_224#4, %get3A_14 : vector<16xf32>
      %mul3A_255 = arith.constant 128 : i32
      %mul3A_256 = arith.muli %add3A_199, %mul3A_255 : i32
      %add3A_257 = arith.constant 64 : i32
      %add3A_258 = arith.addi %mul3A_256, %add3A_257 : i32
      %swap3A_259 = arith.index_cast %add3A_258 : i32 to index
      %swap3A_260 = tpu.vector_load %arg8[%swap3A_259] {strides = array<i32>} : memref<16384xf32, #tpu.memory_space<vmem>>, vector<16xf32>,
      tpu.vector_store %arg8[%swap3A_259], %add3A_254 {strides = array<i32>} : memref<16384xf32, #tpu.memory_space<vmem>>, vector<16xf32>,
      %add3A_261 = arith.addf %scan3A_224#5, %get3A_16 : vector<16xf32>
      %mul3A_262 = arith.constant 128 : i32
      %mul3A_263 = arith.muli %add3A_199, %mul3A_262 : i32
      %add3A_264 = arith.constant 80 : i32
      %add3A_265 = arith.addi %mul3A_263, %add3A_264 : i32
      %swap3A_266 = arith.index_cast %add3A_265 : i32 to index
      %swap3A_267 = tpu.vector_load %arg8[%swap3A_266] {strides = array<i32>} : memref<16384xf32, #tpu.memory_space<vmem>>, vector<16xf32>,
      tpu.vector_store %arg8[%swap3A_266], %add3A_261 {strides = array<i32>} : memref<16384xf32, #tpu.memory_space<vmem>>, vector<16xf32>,
      %add3A_268 = arith.addf %scan3A_224#6, %get3A_18 : vector<16xf32>
      %mul3A_269 = arith.constant 128 : i32
      %mul3A_270 = arith.muli %add3A_199, %mul3A_269 : i32
      %add3A_271 = arith.constant 96 : i32
      %add3A_272 = arith.addi %mul3A_270, %add3A_271 : i32
      %swap3A_273 = arith.index_cast %add3A_272 : i32 to index
      %swap3A_274 = tpu.vector_load %arg8[%swap3A_273] {strides = array<i32>} : memref<16384xf32, #tpu.memory_space<vmem>>, vector<16xf32>,
      tpu.vector_store %arg8[%swap3A_273], %add3A_268 {strides = array<i32>} : memref<16384xf32, #tpu.memory_space<vmem>>, vector<16xf32>,
      %add3A_275 = arith.addf %scan3A_224#7, %get3A_20 : vector<16xf32>
      %mul3A_276 = arith.constant 128 : i32
      %mul3A_277 = arith.muli %add3A_199, %mul3A_276 : i32
      %add3A_278 = arith.constant 112 : i32
      %add3A_279 = arith.addi %mul3A_277, %add3A_278 : i32
      %swap3A_280 = arith.index_cast %add3A_279 : i32 to index
      %swap3A_281 = tpu.vector_load %arg8[%swap3A_280] {strides = array<i32>} : memref<16384xf32, #tpu.memory_space<vmem>>, vector<16xf32>,
      tpu.vector_store %arg8[%swap3A_280], %add3A_275 {strides = array<i32>} : memref<16384xf32, #tpu.memory_space<vmem>>, vector<16xf32>,
      %add3A_282 = arith.constant 4 : i32
      %add3A_283 = arith.addi %add3A_199, %add3A_282 : i32
      %lt3A_284 = arith.constant 128 : i32
      %lt3A_285 = arith.cmpi slt, %add3A_283, %lt3A_284 : i32
      %convert_element_type3A_286 = arith.extui %lt3A_285 : i1 to i32
      %cond3A_287 = arith.constant 0 : i32
      %cond3A_288 = arith.cmpi ne, %convert_element_type3A_286, %cond3A_287 : i32
      scf.if %cond3A_288 {
        %add3A_471 = arith.constant 4 : i32
        %add3A_472 = arith.addi %add3A_199, %add3A_471 : i32
        %mul3A_473 = arith.constant 200 : i32
        %mul3A_474 = arith.muli %add3A_472, %mul3A_473 : i32
        %add3A_475 = arith.constant 0 : i32
        %add3A_476 = arith.addi %mul3A_474, %add3A_475 : i32
        %dma_start3A_477 = arith.constant 1 : i32
        %dma_start3A_478 = arith.constant 0 : i32
        %dma_start3A_479 = arith.constant 0 : i32
        %dma_start3A_480 = tpu.memref_slice %arg7[%dma_start3A_477, %dma_start3A_478, %dma_start3A_479] : memref<4x200x64xi32, #tpu.memory_space<vmem>> -> memref<1x104x64xi32, #tpu.memory_space<vmem>>
        %dma_start3A_481 = tpu.memref_squeeze %dma_start3A_480 : memref<1x104x64xi32, #tpu.memory_space<vmem>> -> memref<104x64xi32, #tpu.memory_space<vmem>>
        %dma_start3A_482 = tpu.memref_slice %arg6[%add3A_476] : memref<25600xi32, #tpu.memory_space<vmem>> -> memref<104xi32, #tpu.memory_space<vmem>>
        %dma_start3A_483 = arith.constant 0 : i32
        %dma_start3A_484 = arith.constant 0 : i32
        %dma_start3A_485 = tpu.memref_slice %arg3[%dma_start3A_483, %dma_start3A_484] : memref<1015808x64xi32, #tpu.memory_space<hbm>> -> memref<1015808x64xi32, #tpu.memory_space<hbm>>
        tpu.enqueue_indirect_dma source(%dma_start3A_485 : memref<1015808x64xi32, #tpu.memory_space<hbm>>) target(%dma_start3A_481 : memref<104x64xi32, #tpu.memory_space<vmem>>) offsets(%dma_start3A_482 : memref<104xi32, #tpu.memory_space<vmem>>) semaphore(%arg11 : memref<!tpu.dma_semaphore, #tpu.memory_space<semaphore_mem>>)
        %mul3A_486 = arith.constant 200 : i32
        %mul3A_487 = arith.muli %add3A_472, %mul3A_486 : i32
        %add3A_488 = arith.constant 104 : i32
        %add3A_489 = arith.addi %mul3A_487, %add3A_488 : i32
        %dma_start3A_490 = arith.constant 1 : i32
        %dma_start3A_491 = arith.constant 104 : i32
        %dma_start3A_492 = arith.constant 0 : i32
        %dma_start3A_493 = tpu.memref_slice %arg7[%dma_start3A_490, %dma_start3A_491, %dma_start3A_492] : memref<4x200x64xi32, #tpu.memory_space<vmem>> -> memref<1x96x64xi32, #tpu.memory_space<vmem>>
        %dma_start3A_494 = tpu.memref_squeeze %dma_start3A_493 : memref<1x96x64xi32, #tpu.memory_space<vmem>> -> memref<96x64xi32, #tpu.memory_space<vmem>>
        %dma_start3A_495 = tpu.memref_slice %arg6[%add3A_489] : memref<25600xi32, #tpu.memory_space<vmem>> -> memref<96xi32, #tpu.memory_space<vmem>>
        %dma_start3A_496 = arith.constant 0 : i32
        %dma_start3A_497 = arith.constant 0 : i32
        %dma_start3A_498 = tpu.memref_slice %arg3[%dma_start3A_496, %dma_start3A_497] : memref<1015808x64xi32, #tpu.memory_space<hbm>> -> memref<1015808x64xi32, #tpu.memory_space<hbm>>
        tpu.enqueue_indirect_dma source(%dma_start3A_498 : memref<1015808x64xi32, #tpu.memory_space<hbm>>) target(%dma_start3A_494 : memref<96x64xi32, #tpu.memory_space<vmem>>) offsets(%dma_start3A_495 : memref<96xi32, #tpu.memory_space<vmem>>) semaphore(%arg11 : memref<!tpu.dma_semaphore, #tpu.memory_space<semaphore_mem>>)
      } else {
      }
      %add3A_289 = arith.constant 2 : i32
      %add3A_290 = arith.addi %mul3A_111, %add3A_289 : i32
      %dma_wait3A_291 = arith.constant 2 : i32
      %dma_wait3A_292 = arith.constant 0 : i32
      %dma_wait3A_293 = arith.constant 0 : i32
      %dma_wait3A_294 = tpu.memref_slice %arg7[%dma_wait3A_291, %dma_wait3A_292, %dma_wait3A_293] : memref<4x200x64xi32, #tpu.memory_space<vmem>> -> memref<1x104x64xi32, #tpu.memory_space<vmem>>
      %dma_wait3A_295 = tpu.memref_squeeze %dma_wait3A_294 : memref<1x104x64xi32, #tpu.memory_space<vmem>> -> memref<104x64xi32, #tpu.memory_space<vmem>>
      %dma_wait3A_296 = arith.constant 0 : i32
      %dma_wait3A_297 = tpu.memref_slice %arg6[%dma_wait3A_296] : memref<25600xi32, #tpu.memory_space<vmem>> -> memref<104xi32, #tpu.memory_space<vmem>>
      %dma_wait3A_298 = arith.constant 0 : i32
      %dma_wait3A_299 = arith.constant 0 : i32
      %dma_wait3A_300 = tpu.memref_slice %arg3[%dma_wait3A_298, %dma_wait3A_299] : memref<1015808x64xi32, #tpu.memory_space<hbm>> -> memref<1015808x64xi32, #tpu.memory_space<hbm>>
      tpu.wait_indirect_dma semaphore(%arg12 : memref<!tpu.dma_semaphore, #tpu.memory_space<semaphore_mem>>) src(%dma_wait3A_300 : memref<1015808x64xi32, #tpu.memory_space<hbm>>) dst(%dma_wait3A_295 : memref<104x64xi32, #tpu.memory_space<vmem>>)
      %dma_wait3A_301 = arith.constant 2 : i32
      %dma_wait3A_302 = arith.constant 104 : i32
      %dma_wait3A_303 = arith.constant 0 : i32
      %dma_wait3A_304 = tpu.memref_slice %arg7[%dma_wait3A_301, %dma_wait3A_302, %dma_wait3A_303] : memref<4x200x64xi32, #tpu.memory_space<vmem>> -> memref<1x96x64xi32, #tpu.memory_space<vmem>>
      %dma_wait3A_305 = tpu.memref_squeeze %dma_wait3A_304 : memref<1x96x64xi32, #tpu.memory_space<vmem>> -> memref<96x64xi32, #tpu.memory_space<vmem>>
      %dma_wait3A_306 = arith.constant 104 : i32
      %dma_wait3A_307 = tpu.memref_slice %arg6[%dma_wait3A_306] : memref<25600xi32, #tpu.memory_space<vmem>> -> memref<96xi32, #tpu.memory_space<vmem>>
      %dma_wait3A_308 = arith.constant 0 : i32
      %dma_wait3A_309 = arith.constant 0 : i32
      %dma_wait3A_310 = tpu.memref_slice %arg3[%dma_wait3A_308, %dma_wait3A_309] : memref<1015808x64xi32, #tpu.memory_space<hbm>> -> memref<1015808x64xi32, #tpu.memory_space<hbm>>
      tpu.wait_indirect_dma semaphore(%arg12 : memref<!tpu.dma_semaphore, #tpu.memory_space<semaphore_mem>>) src(%dma_wait3A_310 : memref<1015808x64xi32, #tpu.memory_space<hbm>>) dst(%dma_wait3A_305 : memref<96x64xi32, #tpu.memory_space<vmem>>)
      %scan3A_311 = arith.constant 0 : i32
      %scan3A_312 = arith.constant 200 : i32
      %scan3A_313 = arith.addi %scan3A_311, %scan3A_312 : i32
      %scan3A_314 = arith.constant 1 : i32
      %scan3A_315:8 = scf.for %scan3A_471 = %scan3A_311 to %scan3A_313 step %scan3A_314 iter_args(%scan3A_472 = %broadcast_in_dim3A_5, %scan3A_473 = %broadcast_in_dim3A_5, %scan3A_474 = %broadcast_in_dim3A_5, %scan3A_475 = %broadcast_in_dim3A_5, %scan3A_476 = %broadcast_in_dim3A_5, %scan3A_477 = %broadcast_in_dim3A_5, %scan3A_478 = %broadcast_in_dim3A_5, %scan3A_479 = %broadcast_in_dim3A_5) -> (vector<16xf32>, vector<16xf32>, vector<16xf32>, vector<16xf32>, vector<16xf32>, vector<16xf32>, vector<16xf32>, vector<16xf32>)  : i32 {
        %get3A_480 = arith.constant 2 : i32
        %get3A_481 = arith.index_cast %get3A_480 : i32 to index
        %get3A_482 = arith.index_cast %scan3A_471 : i32 to index
        %get3A_483 = arith.constant 0 : index
        %get3A_484 = tpu.vector_load %arg7[%get3A_481, %get3A_482, %get3A_483] {strides = array<i32>} : memref<4x200x64xi32, #tpu.memory_space<vmem>>, vector<16xi32>,
        %shift_left3A = arith.constant 16 : i32
        %shift_left3A_485 = vector.broadcast %shift_left3A : i32 to vector<16xi32>
        %shift_left3A_486 = arith.shli %get3A_484, %shift_left3A_485 : vector<16xi32>
        %bitcast3A = vector.bitcast %shift_left3A_486 : vector<16xi32> to vector<16xf32>
        %and3A = arith.constant -65536 : i32
        %and3A_487 = vector.broadcast %and3A : i32 to vector<16xi32>
        %and3A_488 = arith.andi %get3A_484, %and3A_487 : vector<16xi32>
        %bitcast3A_489 = vector.bitcast %and3A_488 : vector<16xi32> to vector<16xf32>
        %add3A_490 = arith.addf %scan3A_472, %bitcast3A : vector<16xf32>
        %add3A_491 = arith.addf %scan3A_476, %bitcast3A_489 : vector<16xf32>
        %get3A_492 = arith.constant 2 : i32
        %get3A_493 = arith.index_cast %get3A_492 : i32 to index
        %get3A_494 = arith.index_cast %scan3A_471 : i32 to index
        %get3A_495 = arith.constant 16 : index
        %get3A_496 = tpu.vector_load %arg7[%get3A_493, %get3A_494, %get3A_495] {strides = array<i32>} : memref<4x200x64xi32, #tpu.memory_space<vmem>>, vector<16xi32>,
        %shift_left3A_497 = arith.constant 16 : i32
        %shift_left3A_498 = vector.broadcast %shift_left3A_497 : i32 to vector<16xi32>
        %shift_left3A_499 = arith.shli %get3A_496, %shift_left3A_498 : vector<16xi32>
        %bitcast3A_500 = vector.bitcast %shift_left3A_499 : vector<16xi32> to vector<16xf32>
        %and3A_501 = arith.constant -65536 : i32
        %and3A_502 = vector.broadcast %and3A_501 : i32 to vector<16xi32>
        %and3A_503 = arith.andi %get3A_496, %and3A_502 : vector<16xi32>
        %bitcast3A_504 = vector.bitcast %and3A_503 : vector<16xi32> to vector<16xf32>
        %add3A_505 = arith.addf %scan3A_473, %bitcast3A_500 : vector<16xf32>
        %add3A_506 = arith.addf %scan3A_477, %bitcast3A_504 : vector<16xf32>
        %get3A_507 = arith.constant 2 : i32
        %get3A_508 = arith.index_cast %get3A_507 : i32 to index
        %get3A_509 = arith.index_cast %scan3A_471 : i32 to index
        %get3A_510 = arith.constant 32 : index
        %get3A_511 = tpu.vector_load %arg7[%get3A_508, %get3A_509, %get3A_510] {strides = array<i32>} : memref<4x200x64xi32, #tpu.memory_space<vmem>>, vector<16xi32>,
        %shift_left3A_512 = arith.constant 16 : i32
        %shift_left3A_513 = vector.broadcast %shift_left3A_512 : i32 to vector<16xi32>
        %shift_left3A_514 = arith.shli %get3A_511, %shift_left3A_513 : vector<16xi32>
        %bitcast3A_515 = vector.bitcast %shift_left3A_514 : vector<16xi32> to vector<16xf32>
        %and3A_516 = arith.constant -65536 : i32
        %and3A_517 = vector.broadcast %and3A_516 : i32 to vector<16xi32>
        %and3A_518 = arith.andi %get3A_511, %and3A_517 : vector<16xi32>
        %bitcast3A_519 = vector.bitcast %and3A_518 : vector<16xi32> to vector<16xf32>
        %add3A_520 = arith.addf %scan3A_474, %bitcast3A_515 : vector<16xf32>
        %add3A_521 = arith.addf %scan3A_478, %bitcast3A_519 : vector<16xf32>
        %get3A_522 = arith.constant 2 : i32
        %get3A_523 = arith.index_cast %get3A_522 : i32 to index
        %get3A_524 = arith.index_cast %scan3A_471 : i32 to index
        %get3A_525 = arith.constant 48 : index
        %get3A_526 = tpu.vector_load %arg7[%get3A_523, %get3A_524, %get3A_525] {strides = array<i32>} : memref<4x200x64xi32, #tpu.memory_space<vmem>>, vector<16xi32>,
        %shift_left3A_527 = arith.constant 16 : i32
        %shift_left3A_528 = vector.broadcast %shift_left3A_527 : i32 to vector<16xi32>
        %shift_left3A_529 = arith.shli %get3A_526, %shift_left3A_528 : vector<16xi32>
        %bitcast3A_530 = vector.bitcast %shift_left3A_529 : vector<16xi32> to vector<16xf32>
        %and3A_531 = arith.constant -65536 : i32
        %and3A_532 = vector.broadcast %and3A_531 : i32 to vector<16xi32>
        %and3A_533 = arith.andi %get3A_526, %and3A_532 : vector<16xi32>
        %bitcast3A_534 = vector.bitcast %and3A_533 : vector<16xi32> to vector<16xf32>
        %add3A_535 = arith.addf %scan3A_475, %bitcast3A_530 : vector<16xf32>
        %add3A_536 = arith.addf %scan3A_479, %bitcast3A_534 : vector<16xf32>
        scf.yield %add3A_490, %add3A_505, %add3A_520, %add3A_535, %add3A_491, %add3A_506, %add3A_521, %add3A_536 : vector<16xf32>, vector<16xf32>, vector<16xf32>, vector<16xf32>, vector<16xf32>, vector<16xf32>, vector<16xf32>, vector<16xf32>
      }
      %scan3A_316 = arith.constant 200 : i32
      %add3A_317 = arith.addf %scan3A_315#0, %get3A_6 : vector<16xf32>
      %mul3A_318 = arith.constant 128 : i32
      %mul3A_319 = arith.muli %add3A_290, %mul3A_318 : i32
      %add3A_320 = arith.constant 0 : i32
      %add3A_321 = arith.addi %mul3A_319, %add3A_320 : i32
      %swap3A_322 = arith.index_cast %add3A_321 : i32 to index
      %swap3A_323 = tpu.vector_load %arg8[%swap3A_322] {strides = array<i32>} : memref<16384xf32, #tpu.memory_space<vmem>>, vector<16xf32>,
      tpu.vector_store %arg8[%swap3A_322], %add3A_317 {strides = array<i32>} : memref<16384xf32, #tpu.memory_space<vmem>>, vector<16xf32>,
      %add3A_324 = arith.addf %scan3A_315#1, %get3A_8 : vector<16xf32>
      %mul3A_325 = arith.constant 128 : i32
      %mul3A_326 = arith.muli %add3A_290, %mul3A_325 : i32
      %add3A_327 = arith.constant 16 : i32
      %add3A_328 = arith.addi %mul3A_326, %add3A_327 : i32
      %swap3A_329 = arith.index_cast %add3A_328 : i32 to index
      %swap3A_330 = tpu.vector_load %arg8[%swap3A_329] {strides = array<i32>} : memref<16384xf32, #tpu.memory_space<vmem>>, vector<16xf32>,
      tpu.vector_store %arg8[%swap3A_329], %add3A_324 {strides = array<i32>} : memref<16384xf32, #tpu.memory_space<vmem>>, vector<16xf32>,
      %add3A_331 = arith.addf %scan3A_315#2, %get3A_10 : vector<16xf32>
      %mul3A_332 = arith.constant 128 : i32
      %mul3A_333 = arith.muli %add3A_290, %mul3A_332 : i32
      %add3A_334 = arith.constant 32 : i32
      %add3A_335 = arith.addi %mul3A_333, %add3A_334 : i32
      %swap3A_336 = arith.index_cast %add3A_335 : i32 to index
      %swap3A_337 = tpu.vector_load %arg8[%swap3A_336] {strides = array<i32>} : memref<16384xf32, #tpu.memory_space<vmem>>, vector<16xf32>,
      tpu.vector_store %arg8[%swap3A_336], %add3A_331 {strides = array<i32>} : memref<16384xf32, #tpu.memory_space<vmem>>, vector<16xf32>,
      %add3A_338 = arith.addf %scan3A_315#3, %get3A_12 : vector<16xf32>
      %mul3A_339 = arith.constant 128 : i32
      %mul3A_340 = arith.muli %add3A_290, %mul3A_339 : i32
      %add3A_341 = arith.constant 48 : i32
      %add3A_342 = arith.addi %mul3A_340, %add3A_341 : i32
      %swap3A_343 = arith.index_cast %add3A_342 : i32 to index
      %swap3A_344 = tpu.vector_load %arg8[%swap3A_343] {strides = array<i32>} : memref<16384xf32, #tpu.memory_space<vmem>>, vector<16xf32>,
      tpu.vector_store %arg8[%swap3A_343], %add3A_338 {strides = array<i32>} : memref<16384xf32, #tpu.memory_space<vmem>>, vector<16xf32>,
      %add3A_345 = arith.addf %scan3A_315#4, %get3A_14 : vector<16xf32>
      %mul3A_346 = arith.constant 128 : i32
      %mul3A_347 = arith.muli %add3A_290, %mul3A_346 : i32
      %add3A_348 = arith.constant 64 : i32
      %add3A_349 = arith.addi %mul3A_347, %add3A_348 : i32
      %swap3A_350 = arith.index_cast %add3A_349 : i32 to index
      %swap3A_351 = tpu.vector_load %arg8[%swap3A_350] {strides = array<i32>} : memref<16384xf32, #tpu.memory_space<vmem>>, vector<16xf32>,
      tpu.vector_store %arg8[%swap3A_350], %add3A_345 {strides = array<i32>} : memref<16384xf32, #tpu.memory_space<vmem>>, vector<16xf32>,
      %add3A_352 = arith.addf %scan3A_315#5, %get3A_16 : vector<16xf32>
      %mul3A_353 = arith.constant 128 : i32
      %mul3A_354 = arith.muli %add3A_290, %mul3A_353 : i32
      %add3A_355 = arith.constant 80 : i32
      %add3A_356 = arith.addi %mul3A_354, %add3A_355 : i32
      %swap3A_357 = arith.index_cast %add3A_356 : i32 to index
      %swap3A_358 = tpu.vector_load %arg8[%swap3A_357] {strides = array<i32>} : memref<16384xf32, #tpu.memory_space<vmem>>, vector<16xf32>,
      tpu.vector_store %arg8[%swap3A_357], %add3A_352 {strides = array<i32>} : memref<16384xf32, #tpu.memory_space<vmem>>, vector<16xf32>,
      %add3A_359 = arith.addf %scan3A_315#6, %get3A_18 : vector<16xf32>
      %mul3A_360 = arith.constant 128 : i32
      %mul3A_361 = arith.muli %add3A_290, %mul3A_360 : i32
      %add3A_362 = arith.constant 96 : i32
      %add3A_363 = arith.addi %mul3A_361, %add3A_362 : i32
      %swap3A_364 = arith.index_cast %add3A_363 : i32 to index
      %swap3A_365 = tpu.vector_load %arg8[%swap3A_364] {strides = array<i32>} : memref<16384xf32, #tpu.memory_space<vmem>>, vector<16xf32>,
      tpu.vector_store %arg8[%swap3A_364], %add3A_359 {strides = array<i32>} : memref<16384xf32, #tpu.memory_space<vmem>>, vector<16xf32>,
      %add3A_366 = arith.addf %scan3A_315#7, %get3A_20 : vector<16xf32>
      %mul3A_367 = arith.constant 128 : i32
      %mul3A_368 = arith.muli %add3A_290, %mul3A_367 : i32
      %add3A_369 = arith.constant 112 : i32
      %add3A_370 = arith.addi %mul3A_368, %add3A_369 : i32
      %swap3A_371 = arith.index_cast %add3A_370 : i32 to index
      %swap3A_372 = tpu.vector_load %arg8[%swap3A_371] {strides = array<i32>} : memref<16384xf32, #tpu.memory_space<vmem>>, vector<16xf32>,
      tpu.vector_store %arg8[%swap3A_371], %add3A_366 {strides = array<i32>} : memref<16384xf32, #tpu.memory_space<vmem>>, vector<16xf32>,
      %add3A_373 = arith.constant 4 : i32
      %add3A_374 = arith.addi %add3A_290, %add3A_373 : i32
      %lt3A_375 = arith.constant 128 : i32
      %lt3A_376 = arith.cmpi slt, %add3A_374, %lt3A_375 : i32
      %convert_element_type3A_377 = arith.extui %lt3A_376 : i1 to i32
      %cond3A_378 = arith.constant 0 : i32
      %cond3A_379 = arith.cmpi ne, %convert_element_type3A_377, %cond3A_378 : i32
      scf.if %cond3A_379 {
        %add3A_471 = arith.constant 4 : i32
        %add3A_472 = arith.addi %add3A_290, %add3A_471 : i32
        %mul3A_473 = arith.constant 200 : i32
        %mul3A_474 = arith.muli %add3A_472, %mul3A_473 : i32
        %add3A_475 = arith.constant 0 : i32
        %add3A_476 = arith.addi %mul3A_474, %add3A_475 : i32
        %dma_start3A_477 = arith.constant 2 : i32
        %dma_start3A_478 = arith.constant 0 : i32
        %dma_start3A_479 = arith.constant 0 : i32
        %dma_start3A_480 = tpu.memref_slice %arg7[%dma_start3A_477, %dma_start3A_478, %dma_start3A_479] : memref<4x200x64xi32, #tpu.memory_space<vmem>> -> memref<1x104x64xi32, #tpu.memory_space<vmem>>
        %dma_start3A_481 = tpu.memref_squeeze %dma_start3A_480 : memref<1x104x64xi32, #tpu.memory_space<vmem>> -> memref<104x64xi32, #tpu.memory_space<vmem>>
        %dma_start3A_482 = tpu.memref_slice %arg6[%add3A_476] : memref<25600xi32, #tpu.memory_space<vmem>> -> memref<104xi32, #tpu.memory_space<vmem>>
        %dma_start3A_483 = arith.constant 0 : i32
        %dma_start3A_484 = arith.constant 0 : i32
        %dma_start3A_485 = tpu.memref_slice %arg3[%dma_start3A_483, %dma_start3A_484] : memref<1015808x64xi32, #tpu.memory_space<hbm>> -> memref<1015808x64xi32, #tpu.memory_space<hbm>>
        tpu.enqueue_indirect_dma source(%dma_start3A_485 : memref<1015808x64xi32, #tpu.memory_space<hbm>>) target(%dma_start3A_481 : memref<104x64xi32, #tpu.memory_space<vmem>>) offsets(%dma_start3A_482 : memref<104xi32, #tpu.memory_space<vmem>>) semaphore(%arg12 : memref<!tpu.dma_semaphore, #tpu.memory_space<semaphore_mem>>)
        %mul3A_486 = arith.constant 200 : i32
        %mul3A_487 = arith.muli %add3A_472, %mul3A_486 : i32
        %add3A_488 = arith.constant 104 : i32
        %add3A_489 = arith.addi %mul3A_487, %add3A_488 : i32
        %dma_start3A_490 = arith.constant 2 : i32
        %dma_start3A_491 = arith.constant 104 : i32
        %dma_start3A_492 = arith.constant 0 : i32
        %dma_start3A_493 = tpu.memref_slice %arg7[%dma_start3A_490, %dma_start3A_491, %dma_start3A_492] : memref<4x200x64xi32, #tpu.memory_space<vmem>> -> memref<1x96x64xi32, #tpu.memory_space<vmem>>
        %dma_start3A_494 = tpu.memref_squeeze %dma_start3A_493 : memref<1x96x64xi32, #tpu.memory_space<vmem>> -> memref<96x64xi32, #tpu.memory_space<vmem>>
        %dma_start3A_495 = tpu.memref_slice %arg6[%add3A_489] : memref<25600xi32, #tpu.memory_space<vmem>> -> memref<96xi32, #tpu.memory_space<vmem>>
        %dma_start3A_496 = arith.constant 0 : i32
        %dma_start3A_497 = arith.constant 0 : i32
        %dma_start3A_498 = tpu.memref_slice %arg3[%dma_start3A_496, %dma_start3A_497] : memref<1015808x64xi32, #tpu.memory_space<hbm>> -> memref<1015808x64xi32, #tpu.memory_space<hbm>>
        tpu.enqueue_indirect_dma source(%dma_start3A_498 : memref<1015808x64xi32, #tpu.memory_space<hbm>>) target(%dma_start3A_494 : memref<96x64xi32, #tpu.memory_space<vmem>>) offsets(%dma_start3A_495 : memref<96xi32, #tpu.memory_space<vmem>>) semaphore(%arg12 : memref<!tpu.dma_semaphore, #tpu.memory_space<semaphore_mem>>)
      } else {
      }
      %add3A_380 = arith.constant 3 : i32
      %add3A_381 = arith.addi %mul3A_111, %add3A_380 : i32
      %dma_wait3A_382 = arith.constant 3 : i32
      %dma_wait3A_383 = arith.constant 0 : i32
      %dma_wait3A_384 = arith.constant 0 : i32
      %dma_wait3A_385 = tpu.memref_slice %arg7[%dma_wait3A_382, %dma_wait3A_383, %dma_wait3A_384] : memref<4x200x64xi32, #tpu.memory_space<vmem>> -> memref<1x104x64xi32, #tpu.memory_space<vmem>>
      %dma_wait3A_386 = tpu.memref_squeeze %dma_wait3A_385 : memref<1x104x64xi32, #tpu.memory_space<vmem>> -> memref<104x64xi32, #tpu.memory_space<vmem>>
      %dma_wait3A_387 = arith.constant 0 : i32
      %dma_wait3A_388 = tpu.memref_slice %arg6[%dma_wait3A_387] : memref<25600xi32, #tpu.memory_space<vmem>> -> memref<104xi32, #tpu.memory_space<vmem>>
      %dma_wait3A_389 = arith.constant 0 : i32
      %dma_wait3A_390 = arith.constant 0 : i32
      %dma_wait3A_391 = tpu.memref_slice %arg3[%dma_wait3A_389, %dma_wait3A_390] : memref<1015808x64xi32, #tpu.memory_space<hbm>> -> memref<1015808x64xi32, #tpu.memory_space<hbm>>
      tpu.wait_indirect_dma semaphore(%arg13 : memref<!tpu.dma_semaphore, #tpu.memory_space<semaphore_mem>>) src(%dma_wait3A_391 : memref<1015808x64xi32, #tpu.memory_space<hbm>>) dst(%dma_wait3A_386 : memref<104x64xi32, #tpu.memory_space<vmem>>)
      %dma_wait3A_392 = arith.constant 3 : i32
      %dma_wait3A_393 = arith.constant 104 : i32
      %dma_wait3A_394 = arith.constant 0 : i32
      %dma_wait3A_395 = tpu.memref_slice %arg7[%dma_wait3A_392, %dma_wait3A_393, %dma_wait3A_394] : memref<4x200x64xi32, #tpu.memory_space<vmem>> -> memref<1x96x64xi32, #tpu.memory_space<vmem>>
      %dma_wait3A_396 = tpu.memref_squeeze %dma_wait3A_395 : memref<1x96x64xi32, #tpu.memory_space<vmem>> -> memref<96x64xi32, #tpu.memory_space<vmem>>
      %dma_wait3A_397 = arith.constant 104 : i32
      %dma_wait3A_398 = tpu.memref_slice %arg6[%dma_wait3A_397] : memref<25600xi32, #tpu.memory_space<vmem>> -> memref<96xi32, #tpu.memory_space<vmem>>
      %dma_wait3A_399 = arith.constant 0 : i32
      %dma_wait3A_400 = arith.constant 0 : i32
      %dma_wait3A_401 = tpu.memref_slice %arg3[%dma_wait3A_399, %dma_wait3A_400] : memref<1015808x64xi32, #tpu.memory_space<hbm>> -> memref<1015808x64xi32, #tpu.memory_space<hbm>>
      tpu.wait_indirect_dma semaphore(%arg13 : memref<!tpu.dma_semaphore, #tpu.memory_space<semaphore_mem>>) src(%dma_wait3A_401 : memref<1015808x64xi32, #tpu.memory_space<hbm>>) dst(%dma_wait3A_396 : memref<96x64xi32, #tpu.memory_space<vmem>>)
      %scan3A_402 = arith.constant 0 : i32
      %scan3A_403 = arith.constant 200 : i32
      %scan3A_404 = arith.addi %scan3A_402, %scan3A_403 : i32
      %scan3A_405 = arith.constant 1 : i32
      %scan3A_406:8 = scf.for %scan3A_471 = %scan3A_402 to %scan3A_404 step %scan3A_405 iter_args(%scan3A_472 = %broadcast_in_dim3A_5, %scan3A_473 = %broadcast_in_dim3A_5, %scan3A_474 = %broadcast_in_dim3A_5, %scan3A_475 = %broadcast_in_dim3A_5, %scan3A_476 = %broadcast_in_dim3A_5, %scan3A_477 = %broadcast_in_dim3A_5, %scan3A_478 = %broadcast_in_dim3A_5, %scan3A_479 = %broadcast_in_dim3A_5) -> (vector<16xf32>, vector<16xf32>, vector<16xf32>, vector<16xf32>, vector<16xf32>, vector<16xf32>, vector<16xf32>, vector<16xf32>)  : i32 {
        %get3A_480 = arith.constant 3 : i32
        %get3A_481 = arith.index_cast %get3A_480 : i32 to index
        %get3A_482 = arith.index_cast %scan3A_471 : i32 to index
        %get3A_483 = arith.constant 0 : index
        %get3A_484 = tpu.vector_load %arg7[%get3A_481, %get3A_482, %get3A_483] {strides = array<i32>} : memref<4x200x64xi32, #tpu.memory_space<vmem>>, vector<16xi32>,
        %shift_left3A = arith.constant 16 : i32
        %shift_left3A_485 = vector.broadcast %shift_left3A : i32 to vector<16xi32>
        %shift_left3A_486 = arith.shli %get3A_484, %shift_left3A_485 : vector<16xi32>
        %bitcast3A = vector.bitcast %shift_left3A_486 : vector<16xi32> to vector<16xf32>
        %and3A = arith.constant -65536 : i32
        %and3A_487 = vector.broadcast %and3A : i32 to vector<16xi32>
        %and3A_488 = arith.andi %get3A_484, %and3A_487 : vector<16xi32>
        %bitcast3A_489 = vector.bitcast %and3A_488 : vector<16xi32> to vector<16xf32>
        %add3A_490 = arith.addf %scan3A_472, %bitcast3A : vector<16xf32>
        %add3A_491 = arith.addf %scan3A_476, %bitcast3A_489 : vector<16xf32>
        %get3A_492 = arith.constant 3 : i32
        %get3A_493 = arith.index_cast %get3A_492 : i32 to index
        %get3A_494 = arith.index_cast %scan3A_471 : i32 to index
        %get3A_495 = arith.constant 16 : index
        %get3A_496 = tpu.vector_load %arg7[%get3A_493, %get3A_494, %get3A_495] {strides = array<i32>} : memref<4x200x64xi32, #tpu.memory_space<vmem>>, vector<16xi32>,
        %shift_left3A_497 = arith.constant 16 : i32
        %shift_left3A_498 = vector.broadcast %shift_left3A_497 : i32 to vector<16xi32>
        %shift_left3A_499 = arith.shli %get3A_496, %shift_left3A_498 : vector<16xi32>
        %bitcast3A_500 = vector.bitcast %shift_left3A_499 : vector<16xi32> to vector<16xf32>
        %and3A_501 = arith.constant -65536 : i32
        %and3A_502 = vector.broadcast %and3A_501 : i32 to vector<16xi32>
        %and3A_503 = arith.andi %get3A_496, %and3A_502 : vector<16xi32>
        %bitcast3A_504 = vector.bitcast %and3A_503 : vector<16xi32> to vector<16xf32>
        %add3A_505 = arith.addf %scan3A_473, %bitcast3A_500 : vector<16xf32>
        %add3A_506 = arith.addf %scan3A_477, %bitcast3A_504 : vector<16xf32>
        %get3A_507 = arith.constant 3 : i32
        %get3A_508 = arith.index_cast %get3A_507 : i32 to index
        %get3A_509 = arith.index_cast %scan3A_471 : i32 to index
        %get3A_510 = arith.constant 32 : index
        %get3A_511 = tpu.vector_load %arg7[%get3A_508, %get3A_509, %get3A_510] {strides = array<i32>} : memref<4x200x64xi32, #tpu.memory_space<vmem>>, vector<16xi32>,
        %shift_left3A_512 = arith.constant 16 : i32
        %shift_left3A_513 = vector.broadcast %shift_left3A_512 : i32 to vector<16xi32>
        %shift_left3A_514 = arith.shli %get3A_511, %shift_left3A_513 : vector<16xi32>
        %bitcast3A_515 = vector.bitcast %shift_left3A_514 : vector<16xi32> to vector<16xf32>
        %and3A_516 = arith.constant -65536 : i32
        %and3A_517 = vector.broadcast %and3A_516 : i32 to vector<16xi32>
        %and3A_518 = arith.andi %get3A_511, %and3A_517 : vector<16xi32>
        %bitcast3A_519 = vector.bitcast %and3A_518 : vector<16xi32> to vector<16xf32>
        %add3A_520 = arith.addf %scan3A_474, %bitcast3A_515 : vector<16xf32>
        %add3A_521 = arith.addf %scan3A_478, %bitcast3A_519 : vector<16xf32>
        %get3A_522 = arith.constant 3 : i32
        %get3A_523 = arith.index_cast %get3A_522 : i32 to index
        %get3A_524 = arith.index_cast %scan3A_471 : i32 to index
        %get3A_525 = arith.constant 48 : index
        %get3A_526 = tpu.vector_load %arg7[%get3A_523, %get3A_524, %get3A_525] {strides = array<i32>} : memref<4x200x64xi32, #tpu.memory_space<vmem>>, vector<16xi32>,
        %shift_left3A_527 = arith.constant 16 : i32
        %shift_left3A_528 = vector.broadcast %shift_left3A_527 : i32 to vector<16xi32>
        %shift_left3A_529 = arith.shli %get3A_526, %shift_left3A_528 : vector<16xi32>
        %bitcast3A_530 = vector.bitcast %shift_left3A_529 : vector<16xi32> to vector<16xf32>
        %and3A_531 = arith.constant -65536 : i32
        %and3A_532 = vector.broadcast %and3A_531 : i32 to vector<16xi32>
        %and3A_533 = arith.andi %get3A_526, %and3A_532 : vector<16xi32>
        %bitcast3A_534 = vector.bitcast %and3A_533 : vector<16xi32> to vector<16xf32>
        %add3A_535 = arith.addf %scan3A_475, %bitcast3A_530 : vector<16xf32>
        %add3A_536 = arith.addf %scan3A_479, %bitcast3A_534 : vector<16xf32>
        scf.yield %add3A_490, %add3A_505, %add3A_520, %add3A_535, %add3A_491, %add3A_506, %add3A_521, %add3A_536 : vector<16xf32>, vector<16xf32>, vector<16xf32>, vector<16xf32>, vector<16xf32>, vector<16xf32>, vector<16xf32>, vector<16xf32>
      }
      %scan3A_407 = arith.constant 200 : i32
      %add3A_408 = arith.addf %scan3A_406#0, %get3A_6 : vector<16xf32>
      %mul3A_409 = arith.constant 128 : i32
      %mul3A_410 = arith.muli %add3A_381, %mul3A_409 : i32
      %add3A_411 = arith.constant 0 : i32
      %add3A_412 = arith.addi %mul3A_410, %add3A_411 : i32
      %swap3A_413 = arith.index_cast %add3A_412 : i32 to index
      %swap3A_414 = tpu.vector_load %arg8[%swap3A_413] {strides = array<i32>} : memref<16384xf32, #tpu.memory_space<vmem>>, vector<16xf32>,
      tpu.vector_store %arg8[%swap3A_413], %add3A_408 {strides = array<i32>} : memref<16384xf32, #tpu.memory_space<vmem>>, vector<16xf32>,
      %add3A_415 = arith.addf %scan3A_406#1, %get3A_8 : vector<16xf32>
      %mul3A_416 = arith.constant 128 : i32
      %mul3A_417 = arith.muli %add3A_381, %mul3A_416 : i32
      %add3A_418 = arith.constant 16 : i32
      %add3A_419 = arith.addi %mul3A_417, %add3A_418 : i32
      %swap3A_420 = arith.index_cast %add3A_419 : i32 to index
      %swap3A_421 = tpu.vector_load %arg8[%swap3A_420] {strides = array<i32>} : memref<16384xf32, #tpu.memory_space<vmem>>, vector<16xf32>,
      tpu.vector_store %arg8[%swap3A_420], %add3A_415 {strides = array<i32>} : memref<16384xf32, #tpu.memory_space<vmem>>, vector<16xf32>,
      %add3A_422 = arith.addf %scan3A_406#2, %get3A_10 : vector<16xf32>
      %mul3A_423 = arith.constant 128 : i32
      %mul3A_424 = arith.muli %add3A_381, %mul3A_423 : i32
      %add3A_425 = arith.constant 32 : i32
      %add3A_426 = arith.addi %mul3A_424, %add3A_425 : i32
      %swap3A_427 = arith.index_cast %add3A_426 : i32 to index
      %swap3A_428 = tpu.vector_load %arg8[%swap3A_427] {strides = array<i32>} : memref<16384xf32, #tpu.memory_space<vmem>>, vector<16xf32>,
      tpu.vector_store %arg8[%swap3A_427], %add3A_422 {strides = array<i32>} : memref<16384xf32, #tpu.memory_space<vmem>>, vector<16xf32>,
      %add3A_429 = arith.addf %scan3A_406#3, %get3A_12 : vector<16xf32>
      %mul3A_430 = arith.constant 128 : i32
      %mul3A_431 = arith.muli %add3A_381, %mul3A_430 : i32
      %add3A_432 = arith.constant 48 : i32
      %add3A_433 = arith.addi %mul3A_431, %add3A_432 : i32
      %swap3A_434 = arith.index_cast %add3A_433 : i32 to index
      %swap3A_435 = tpu.vector_load %arg8[%swap3A_434] {strides = array<i32>} : memref<16384xf32, #tpu.memory_space<vmem>>, vector<16xf32>,
      tpu.vector_store %arg8[%swap3A_434], %add3A_429 {strides = array<i32>} : memref<16384xf32, #tpu.memory_space<vmem>>, vector<16xf32>,
      %add3A_436 = arith.addf %scan3A_406#4, %get3A_14 : vector<16xf32>
      %mul3A_437 = arith.constant 128 : i32
      %mul3A_438 = arith.muli %add3A_381, %mul3A_437 : i32
      %add3A_439 = arith.constant 64 : i32
      %add3A_440 = arith.addi %mul3A_438, %add3A_439 : i32
      %swap3A_441 = arith.index_cast %add3A_440 : i32 to index
      %swap3A_442 = tpu.vector_load %arg8[%swap3A_441] {strides = array<i32>} : memref<16384xf32, #tpu.memory_space<vmem>>, vector<16xf32>,
      tpu.vector_store %arg8[%swap3A_441], %add3A_436 {strides = array<i32>} : memref<16384xf32, #tpu.memory_space<vmem>>, vector<16xf32>,
      %add3A_443 = arith.addf %scan3A_406#5, %get3A_16 : vector<16xf32>
      %mul3A_444 = arith.constant 128 : i32
      %mul3A_445 = arith.muli %add3A_381, %mul3A_444 : i32
      %add3A_446 = arith.constant 80 : i32
      %add3A_447 = arith.addi %mul3A_445, %add3A_446 : i32
      %swap3A_448 = arith.index_cast %add3A_447 : i32 to index
      %swap3A_449 = tpu.vector_load %arg8[%swap3A_448] {strides = array<i32>} : memref<16384xf32, #tpu.memory_space<vmem>>, vector<16xf32>,
      tpu.vector_store %arg8[%swap3A_448], %add3A_443 {strides = array<i32>} : memref<16384xf32, #tpu.memory_space<vmem>>, vector<16xf32>,
      %add3A_450 = arith.addf %scan3A_406#6, %get3A_18 : vector<16xf32>
      %mul3A_451 = arith.constant 128 : i32
      %mul3A_452 = arith.muli %add3A_381, %mul3A_451 : i32
      %add3A_453 = arith.constant 96 : i32
      %add3A_454 = arith.addi %mul3A_452, %add3A_453 : i32
      %swap3A_455 = arith.index_cast %add3A_454 : i32 to index
      %swap3A_456 = tpu.vector_load %arg8[%swap3A_455] {strides = array<i32>} : memref<16384xf32, #tpu.memory_space<vmem>>, vector<16xf32>,
      tpu.vector_store %arg8[%swap3A_455], %add3A_450 {strides = array<i32>} : memref<16384xf32, #tpu.memory_space<vmem>>, vector<16xf32>,
      %add3A_457 = arith.addf %scan3A_406#7, %get3A_20 : vector<16xf32>
      %mul3A_458 = arith.constant 128 : i32
      %mul3A_459 = arith.muli %add3A_381, %mul3A_458 : i32
      %add3A_460 = arith.constant 112 : i32
      %add3A_461 = arith.addi %mul3A_459, %add3A_460 : i32
      %swap3A_462 = arith.index_cast %add3A_461 : i32 to index
      %swap3A_463 = tpu.vector_load %arg8[%swap3A_462] {strides = array<i32>} : memref<16384xf32, #tpu.memory_space<vmem>>, vector<16xf32>,
      tpu.vector_store %arg8[%swap3A_462], %add3A_457 {strides = array<i32>} : memref<16384xf32, #tpu.memory_space<vmem>>, vector<16xf32>,
      %add3A_464 = arith.constant 4 : i32
      %add3A_465 = arith.addi %add3A_381, %add3A_464 : i32
      %lt3A_466 = arith.constant 128 : i32
      %lt3A_467 = arith.cmpi slt, %add3A_465, %lt3A_466 : i32
      %convert_element_type3A_468 = arith.extui %lt3A_467 : i1 to i32
      %cond3A_469 = arith.constant 0 : i32
      %cond3A_470 = arith.cmpi ne, %convert_element_type3A_468, %cond3A_469 : i32
      scf.if %cond3A_470 {
        %add3A_471 = arith.constant 4 : i32
        %add3A_472 = arith.addi %add3A_381, %add3A_471 : i32
        %mul3A_473 = arith.constant 200 : i32
        %mul3A_474 = arith.muli %add3A_472, %mul3A_473 : i32
        %add3A_475 = arith.constant 0 : i32
        %add3A_476 = arith.addi %mul3A_474, %add3A_475 : i32
        %dma_start3A_477 = arith.constant 3 : i32
        %dma_start3A_478 = arith.constant 0 : i32
        %dma_start3A_479 = arith.constant 0 : i32
        %dma_start3A_480 = tpu.memref_slice %arg7[%dma_start3A_477, %dma_start3A_478, %dma_start3A_479] : memref<4x200x64xi32, #tpu.memory_space<vmem>> -> memref<1x104x64xi32, #tpu.memory_space<vmem>>
        %dma_start3A_481 = tpu.memref_squeeze %dma_start3A_480 : memref<1x104x64xi32, #tpu.memory_space<vmem>> -> memref<104x64xi32, #tpu.memory_space<vmem>>
        %dma_start3A_482 = tpu.memref_slice %arg6[%add3A_476] : memref<25600xi32, #tpu.memory_space<vmem>> -> memref<104xi32, #tpu.memory_space<vmem>>
        %dma_start3A_483 = arith.constant 0 : i32
        %dma_start3A_484 = arith.constant 0 : i32
        %dma_start3A_485 = tpu.memref_slice %arg3[%dma_start3A_483, %dma_start3A_484] : memref<1015808x64xi32, #tpu.memory_space<hbm>> -> memref<1015808x64xi32, #tpu.memory_space<hbm>>
        tpu.enqueue_indirect_dma source(%dma_start3A_485 : memref<1015808x64xi32, #tpu.memory_space<hbm>>) target(%dma_start3A_481 : memref<104x64xi32, #tpu.memory_space<vmem>>) offsets(%dma_start3A_482 : memref<104xi32, #tpu.memory_space<vmem>>) semaphore(%arg13 : memref<!tpu.dma_semaphore, #tpu.memory_space<semaphore_mem>>)
        %mul3A_486 = arith.constant 200 : i32
        %mul3A_487 = arith.muli %add3A_472, %mul3A_486 : i32
        %add3A_488 = arith.constant 104 : i32
        %add3A_489 = arith.addi %mul3A_487, %add3A_488 : i32
        %dma_start3A_490 = arith.constant 3 : i32
        %dma_start3A_491 = arith.constant 104 : i32
        %dma_start3A_492 = arith.constant 0 : i32
        %dma_start3A_493 = tpu.memref_slice %arg7[%dma_start3A_490, %dma_start3A_491, %dma_start3A_492] : memref<4x200x64xi32, #tpu.memory_space<vmem>> -> memref<1x96x64xi32, #tpu.memory_space<vmem>>
        %dma_start3A_494 = tpu.memref_squeeze %dma_start3A_493 : memref<1x96x64xi32, #tpu.memory_space<vmem>> -> memref<96x64xi32, #tpu.memory_space<vmem>>
        %dma_start3A_495 = tpu.memref_slice %arg6[%add3A_489] : memref<25600xi32, #tpu.memory_space<vmem>> -> memref<96xi32, #tpu.memory_space<vmem>>
        %dma_start3A_496 = arith.constant 0 : i32
        %dma_start3A_497 = arith.constant 0 : i32
        %dma_start3A_498 = tpu.memref_slice %arg3[%dma_start3A_496, %dma_start3A_497] : memref<1015808x64xi32, #tpu.memory_space<hbm>> -> memref<1015808x64xi32, #tpu.memory_space<hbm>>
        tpu.enqueue_indirect_dma source(%dma_start3A_498 : memref<1015808x64xi32, #tpu.memory_space<hbm>>) target(%dma_start3A_494 : memref<96x64xi32, #tpu.memory_space<vmem>>) offsets(%dma_start3A_495 : memref<96xi32, #tpu.memory_space<vmem>>) semaphore(%arg13 : memref<!tpu.dma_semaphore, #tpu.memory_space<semaphore_mem>>)
      } else {
      }
    }
    %scan3A_104 = arith.constant 32 : i32
    %mul3A_105 = arith.constant 128 : i32
    %mul3A_106 = arith.muli %add3A, %mul3A_105 : i32
    %mul3A_107 = arith.constant 128 : i32
    %mul3A_108 = arith.muli %mul3A_106, %mul3A_107 : i32
    "tpu.region"() ({
      %run_scoped3A = tpu.sem_alloc : memref<!tpu.dma_semaphore, #tpu.memory_space<semaphore_mem>>
      %dma_start3A_109 = tpu.memref_slice %arg5[%mul3A_108] : memref<524288xf32, #tpu.memory_space<hbm>> -> memref<16384xf32, #tpu.memory_space<hbm>>
      %dma_start3A_110 = tpu.memref_slice %arg5[%mul3A_108] : memref<524288xf32, #tpu.memory_space<hbm>> -> memref<16384xf32, #tpu.memory_space<hbm>>
      tpu.enqueue_dma source(%arg8 : memref<16384xf32, #tpu.memory_space<vmem>>) target(%dma_start3A_110 : memref<16384xf32, #tpu.memory_space<hbm>>) target_semaphore(%run_scoped3A : memref<!tpu.dma_semaphore, #tpu.memory_space<semaphore_mem>>)
      %dma_wait3A = tpu.memref_slice %arg5[%mul3A_108] : memref<524288xf32, #tpu.memory_space<hbm>> -> memref<16384xf32, #tpu.memory_space<hbm>>
      %dma_wait3A_111 = tpu.memref_slice %arg5[%mul3A_108] : memref<524288xf32, #tpu.memory_space<hbm>> -> memref<16384xf32, #tpu.memory_space<hbm>>
      tpu.wait_dma2 semaphore(%run_scoped3A : memref<!tpu.dma_semaphore, #tpu.memory_space<semaphore_mem>>) src(%arg8 : memref<16384xf32, #tpu.memory_space<vmem>>) dst(%dma_wait3A_111 : memref<16384xf32, #tpu.memory_space<hbm>>)
      tpu.yield
    }) : () -> ()
    return
  }
}

</mosaic_0001>

<sc_bundles>
// kernel: _pool.3.cloned.1.call-start
scs
__scs_entry_jumppad:
0x0: {  	(pc) =	sbr.rel $0x88, $3  }
0x1: {  	(tag) =	ssettag $0x0;
	lr =	simm.s32 $0x1  }
0x2: {  	[smem:$0x3F9E] =	sst lr;
	_ =	strace $0xD0000000  }
0x3: {  	_ = 	snop  }
0x4: {  	_ = 	snop  }
0x5: {  	_ = 	snop  }
0x6: {  	_ = 	snop  }
0x7: {  	_ = 	snop  }
__scs_overlays_trampoline_lowered:
0x8: {  	[smem:$0x3FAD] =	sst s0  }
0x9: {  	[smem:$0x3FAE] =	sst s1  }
0xa: {  	[smem:$0x3FAF] =	sst s2  }
0xb: {  	[smem:$0x3FB0] =	sst s3  }
0xc: {  	[smem:$0x3FB1] =	sst s4  }
0xd: {  	[smem:$0x3FB2] =	sst s5  }
0xe: {  	[smem:$0x3FB3] =	sst s6  }
0xf: {  	[smem:$0x3FB4] =	sst s7  }
0x10: {  	[smem:$0x3FB5] =	sst s8  }
0x11: {  	[smem:$0x3FB6] =	sst s9;
	s0 =	simm.s32 @!p0 $0x0  }
0x12: {  	s1 =	sld [smem:$0x3F9C];
	s0 =	simm.s32 @p0 $0x1  }
0x13: {  	[smem:$0x3FB7] =	sst s0;
	s0 =	simm.s32 @!p1 $0x0  }
0x14: {  	s2 =	sld [smem:$0x3F9B];
	s0 =	simm.s32 @p1 $0x1  }
0x15: {  	[smem:$0x3FB8] =	sst s0;
	s0 =	simm.s32 @!p2 $0x0  }
0x16: {  	s3 =	sld [smem:$0x3FDB];
	s0 =	simm.s32 @p2 $0x1  }
0x17: {  	s4 =	simm.s32 $0x1BF5;
	[smem:$0x3FBA] =	sst s0  }
0x18: {  	s0 =	sld [smem:$0x3F9D];
	_ =	swait.ge [sflag:s4], $0x0  }
0x19: {  	s7 =	sld [smem:$0x3F9E]  }
0x1a: {  	s8 =	sadd.s32 $0xFFFFE003, lr  }
0x1b: {  	s9 =	sadd.s32 $0xFFFFFEF7, lr;
	s5 =	simm.s32 $0xFFFFFFFF;
	p2 =	slt.u32 s8, $0xFFFFF086  }
0x1c: {  	p1 =	slt.u32 s9, $0xF7A;
	s5 =	simm.s32 @!p2 $0x0  }
0x1d: {  	s5 =	simm.s32 @p1 $0x1;
	p0 =	seq.s32 s7, s2  }
0x1e: {  	s7 =	smul.u32 @!p0 $0xF7A, s2;
	p2 =	seq.s32 @!p0 s5, $0x0  }
0x1f: {  	s9 =	smul.u32 $0xF7A, s1;
	s8 =	simm.s32 @!p0 $0x1BF5;
	p2 =	por !p2, p0  }
0x20: {  	[sflag:s8] =	ssyncset.s32 @!p0 $0xFFFFF086;
	s6 =	sadd.s32 @!p0 s3, s7;
	s7 =	simm.s32 @!p0 $0x108  }
0x21: {  	s3 =	sadd.s32 s3, s9;
	s6 =	sadd.s32 @!p0 $0x88, s6;
	s7 =	simm.s32 @p2 $0x1082  }
0x22: {  	[simem:s7], [sflag:s8] =	dma.local @!p0 [hbm:s6], $0xF7A  }
0x23: {  	s9 =	sor.u32 $0xD0000000, s2;
	s6 =	simm.s32 $0x108;
	_ =	swait.ge @!p0 [sflag:s8], $0x0  }
0x24: {  	s3 =	sadd.s32 $0x88, s3;
	s6 =	simm.s32 @!p1 $0x1082;
	[sflag:s4] =	ssyncset.s32 $0xFFFFF086  }
0x25: {  	[simem:s6], [sflag:s4] =	dma.local [hbm:s3], $0xF7A  }
0x26: {  	[smem:$0x3F9E] =	sst s1;
	(tag) =	ssettag s2;
	_ =	strace s9  }
0x27: {  	s1 =	sld [smem:$0x3FAE]  }
0x28: {  	s2 =	sld [smem:$0x3FAF]  }
0x29: {  	s4 =	sld [smem:$0x3FB1]  }
0x2a: {  	p0 =	seq.s32 s5, $0x0;
	s5 =	sld [smem:$0x3FB2]  }
0x2b: {  	s6 =	sld [smem:$0x3FB3]  }
0x2c: {  	s7 =	sld [smem:$0x3FB4]  }
0x2d: {  	s3 =	simm.s32 $0x108;
	s8 =	sld [smem:$0x3FB5]  }
0x2e: {  	s3 =	simm.s32 @!p0 $0x1082;
	s9 =	sld [smem:$0x3FB6]  }
0x2f: {  	lr =	sadd.s32 s0, s3;
	s0 =	sld [smem:$0x3FAD]  }
0x30: {  	s3 =	sld [smem:$0x3FB0]  }
0x31: {  	[smem:$0x3FB9] =	sst s10  }
0x32: {  	s10 =	sld [smem:$0x3FB7];
	_ =	sdelay $0x3  }
0x33: {  	p0 =	seq.s32 s10, $0x1;
	s10 =	sld [smem:$0x3FB9];
	_ =	sdelay $0x3  }
0x34: {  	[smem:$0x3FB9] =	sst s10  }
0x35: {  	s10 =	sld [smem:$0x3FB8];
	_ =	sdelay $0x3  }
0x36: {  	p1 =	seq.s32 s10, $0x1;
	s10 =	sld [smem:$0x3FB9];
	_ =	sdelay $0x3  }
0x37: {  	[smem:$0x3FB9] =	sst s10  }
0x38: {  	s10 =	sld [smem:$0x3FBA]  }
0x39: {  	_ = 	snop;
	(pc) =	sbr.ind lr, $3  }
0x3a: {  	_ = 	snop  }
0x3b: {  	_ = 	snop  }
0x3c: {  	p2 =	seq.s32 s10, $0x1;
	s10 =	sld [smem:$0x3FB9]  }
0x3d: {  	_ =	shalt  }
0x3e: {  	_ =	shalt  }
0x3f: {  	_ =	shalt  }
0x40: {  	_ =	shalt  }
0x41: {  	_ =	shalt  }
0x42: {  	_ =	shalt  }
0x43: {  	_ =	shalt  }
0x44: {  	_ =	shalt  }
0x45: {  	_ =	shalt  }
0x46: {  	_ =	shalt  }
0x47: {  	_ =	shalt  }
0x48: {  	_ =	shalt  }
0x49: {  	_ =	shalt  }
0x4a: {  	_ =	shalt  }
0x4b: {  	_ =	shalt  }
0x4c: {  	_ =	shalt  }
0x4d: {  	_ =	shalt  }
0x4e: {  	_ =	shalt  }
0x4f: {  	_ =	shalt  }
0x50: {  	_ =	shalt  }
0x51: {  	_ =	shalt  }
0x52: {  	_ =	shalt  }
0x53: {  	_ =	shalt  }
0x54: {  	_ =	shalt  }
0x55: {  	_ =	shalt  }
0x56: {  	_ =	shalt  }
0x57: {  	_ =	shalt  }
0x58: {  	_ =	shalt  }
0x59: {  	_ =	shalt  }
0x5a: {  	_ =	shalt  }
0x5b: {  	_ =	shalt  }
0x5c: {  	_ =	shalt  }
0x5d: {  	_ =	shalt  }
0x5e: {  	_ =	shalt  }
0x5f: {  	_ =	shalt  }
0x60: {  	_ =	shalt  }
0x61: {  	_ =	shalt  }
0x62: {  	_ =	shalt  }
0x63: {  	_ =	shalt  }
0x64: {  	_ =	shalt  }
0x65: {  	_ =	shalt  }
0x66: {  	_ =	shalt  }
0x67: {  	_ =	shalt  }
0x68: {  	_ =	shalt  }
0x69: {  	_ =	shalt  }
0x6a: {  	_ =	shalt  }
0x6b: {  	_ =	shalt  }
0x6c: {  	_ =	shalt  }
0x6d: {  	_ =	shalt  }
0x6e: {  	_ =	shalt  }
0x6f: {  	_ =	shalt  }
0x70: {  	_ =	shalt  }
0x71: {  	_ =	shalt  }
0x72: {  	_ =	shalt  }
0x73: {  	_ =	shalt  }
0x74: {  	_ =	shalt  }
0x75: {  	_ =	shalt  }
0x76: {  	_ =	shalt  }
0x77: {  	_ =	shalt  }
0x78: {  	_ =	shalt  }
0x79: {  	_ =	shalt  }
0x7a: {  	_ =	shalt  }
0x7b: {  	_ =	shalt  }
0x7c: {  	_ =	shalt  }
0x7d: {  	_ =	shalt  }
0x7e: {  	_ =	shalt  }
0x7f: {  	_ =	shalt  }
0x80: {  	_ =	shalt  }
0x81: {  	_ =	shalt  }
0x82: {  	_ =	shalt  }
0x83: {  	_ =	shalt  }
0x84: {  	_ =	shalt  }
0x85: {  	_ =	shalt  }
0x86: {  	_ =	shalt  }
0x87: {  	_ =	shalt  }
.Lfunc_end0:
.L_simem_size_0:
called_computation_lowered:
.L_overlay_start_0:
0x88: {  	s2 =	sld [smem:$0x3FD9]  }
0x89: {  	s3 =	sld [smem:$0x3FFE];
	_ =	sdelay $0x1  }
0x8a: {  	s1 =	srdreg.scid  }
0x8b: {  	s0 =	sand.u32 $0x1, s1  }
0x8c: {  	s17 =	sshll.u32 s0, $0xA;
	s2 =	sadd.s32 s3, s2  }
0x8d: {  	s2 =	sadd.s32 s2, s17  }
0x8e: {  	[smem:$0x3FC5] =	sst s2  }
0x8f: {  	_ = 	snop  }
0x90: {  	s2 =	sld [smem:$0x3FC9]  }
0x91: {  	s18 =	sld [smem:$0x3FC7]  }
0x92: {  	s4 =	sld [smem:$0x3FD0];
	(tm) =	ssettm $0x1  }
0x93: {  	s5 =	sld [smem:$0x3FFB];
	_ =	sdelay $0x3  }
0x94: {  	_ =	strace s5  }
0x95: {  	s5 =	sld [smem:$0x3FFC];
	_ =	sdelay $0x3  }
0x96: {  	_ =	strace s5  }
0x97: {  	s5 =	sld [smem:$0x3FFD];
	_ =	sdelay $0x3  }
0x98: {  	_ =	strace s5  }
0x99: {  	_ =	strace $0x8FFFFFFF  }
0x9a: {  	s19 =	sld [smem:$0x3FDB];
	_ =	sdelay $0x1  }
0x9b: {  	s6 =	simm.s32 $_scs_section_size  }
0x9c: {  	s7 =	simm.s32 $_size__tile_overlayer_lowered;
	s8 =	simm.s32 $_tile_overlayer_lowered  }
0x9d: {  	s22 =	simm.s32 $0x1BFF;
	s21 =	sshll.u32 s8, $0x1;
	s5 =	sadd.s32 s6, s19  }
0x9e: {  	s9 =	simm.s32 $0x0;
	s20 =	sshll.u32 s7, $0x1;
	s7 =	sadd.s32 s21, s5  }
0x9f: {  	[timem:s9], [sflag:s22] =	dma.local [hbm:s7], s20  }
0xa0: {  	_ =	swait.ge [sflag:s22], s20  }
0xa1: {  	s6 =	ssub.s32 $0x0, s20;
	[sflag:s22] =	ssyncset.done $0x0  }
0xa2: {  	[sflag:s22] =	ssyncadd.s32 s6;
	_ =	sdelay $0x1  }
0xa3: {  	s23 =	simm.s32 $0x1B8B  }
0xa4: {  	_ =	swait.ge [sflag:s23], $0x1  }
0xa5: {  	[sflag:s23] =	ssyncset.done $0x0  }
0xa6: {  	s25 =	simm.s32 $0x1B8E;
	s24 =	sld [smem:$0x3FFE];
	[sflag:s23] =	ssyncadd.s32 $0xFFFFFFFF  }
0xa7: {  	s26 =	simm.s32 $execute0_lowered;
	[smem:$0x3FD2] =	sst s25  }
0xa8: {  	s7 =	sshll.u32 s26, $0x1;
	_ =	strace $0x80000046;
	[dreg:$0x1] =	wrdreg $0xFFFFFFFF  }
0xa9: {  	s28 =	simm.s32 $_size_execute0_lowered;
	s5 =	sadd.s32 s5, s7;
	[dreg:$0x0] =	wrdreg $0x0  }
0xaa: {  	s7 =	sshll.u32 s28, $0x1;
	[dreg:$0x2] =	wrdreg s5  }
0xab: {  	[dreg:$0x3] =	wrdreg s7  }
0xac: {  	[dreg:$0x4] =	wrdreg $0xC0  }
0xad: {  	_ =	task [dreg:s9], $0x5FFFF  }
0xae: {  	[dreg:$0x1] =	wrdreg $0xFFFFFFFF  }
0xaf: {  	[dreg:$0x0] =	wrdreg $0x60  }
0xb0: {  	[dreg:$0x2] =	wrdreg s2  }
0xb1: {  	[dreg:$0x3] =	wrdreg s24  }
0xb2: {  	[dreg:$0x4] =	wrdreg s18  }
0xb3: {  	[dreg:$0x5] =	wrdreg s4  }
0xb4: {  	[dreg:$0x6] =	wrdreg $0x9  }
0xb5: {  	_ =	task.clear_ibuf [dreg:s9], $0x7FFFF;
	_ =	strace $0x90000046  }
0xb6: {  	s29 =	simm.s32 $0x9;
	_ =	strace $0x80000048  }
0xb7: {  	_ =	swait.ge [sflag:s29], $0x1  }
0xb8: {  	[sflag:s29] =	ssyncadd.s32 $0xFFFFFFFF  }
0xb9: {  	_ =	strace $0x90000048  }
0xba: {  	_ =	sfence  }
0xbb: {  	s30 =	sld [smem:$0x0];
	_ =	sdelay $0x2  }
0xbc: {  	s31 =	sshll.u32 s1, $0xD;
	s1 =	sshrl.u32 s1, $0x2  }
0xbd: {  	s3 =	sand.u32 $0x4000, s31;
	s1 =	sadd.s32 s1, s30  }
0xbe: {  	s0 =	sor.u32 s3, s0;
	s1 =	sshll.u32 s1, $0x11  }
0xbf: {  	s0 =	sor.u32 s1, s0  }
0xc0: {  	s0 =	sadd.s32 $0x8F2B, s0  }
0xc1: {  	[sflag:s0] =	ssyncadd.remote.s32 $0x1  }
0xc2: {  	_ =	sfence.sel $0xFFFF  }
0xc3: {  	[dreg:$0x0] =	wrdreg $0xFFFFFFFF;
	(pc) =	sbr.abs _section_cstart, $3  }
0xc4: {  	[dreg:$0x1] =	wrdreg $0xFFFFFFFF  }
0xc5: {  	_ =	task.clear_ibuf [dreg:s9], $0x2FFFF;
	_ =	strace $0x9FFFFFFF  }
0xc6: {  	(tm) =	ssettm $0x7FFFFFFF  }
0xc7: {  	_ =	shalt  }
tec
execute0_lowered:
.L_overlay_start_1:
0x0: {  	(tag) =	ssettag $0x1  }
0x1: {  	s0 =	rddreg [dreg:$0x0]  }
0x2: {  	s1 =	rddreg [dreg:$0x1]  }
0x3: {  	s2 =	rddreg [dreg:$0x3]  }
0x4: {  	s4 =	srdreg.scid;
	s5 =	stileid.u32  }
0x5: {  	s3 =	simm.s32 $0x0;
	s10 =	simm.s32 $0x68;
	s12 =	simm.s32 $0x60  }
0x6: {  	s15 =	simm.s32 $0x9600;
	s16 =	simm.s32 $0x130;
	s17 =	simm.s32 $0xB000  }
0x7: {  	s18 =	simm.s32 $0x190;
	s19 =	simm.s32 $0xC800;
	s20 =	simm.s32 $0x1F8  }
0x8: {  	s21 =	simm.s32 $0xE200;
	s22 =	simm.s32 $0x258;
	s23 =	simm.s32 $0xFA00  }
0x9: {  	s24 =	simm.s32 $0x2C0;
	s28 =	simm.s32 $0x2;
	s29 =	simm.s32 $0x3  }
0xa: {  	s30 =	simm.s32 $0x4;
	s31 =	simm.s32 $0x12C00;
	s4 =	sand.u32 $0x1, s4  }
0xb: {  	s5 =	sshll.u32 s5, $0x1;
	[smem:$0x7FF] =	sst s3;
	s6 =	ssub.s32 $0x2, s4  }
.Ltmp0:
0xc: {  	s5 =	sor.u32 s4, s5;
	_ =	strace $0x80000047;
	(pc) =	sbr.rel .LBB2_1-.Ltmp0, $4  }
0xd: {  	s7 =	sshrl.u32 s6, $0x1;
	s8 =	smul.u32 $0xC80, s5;
	s26 =	sshll.u32 s5, $0xB  }
0xe: {  	s4 =	sadd.s32 $0xF80400, s1;
	s25 =	ssub.s32 s6, s7;
	s6 =	sadd.s32 s2, s26  }
0xf: {  	s26 =	simm.s32 $0x1;
	s5 =	sadd.s32 s0, s8;
	s7 =	smax.u32 s25, $0x1  }
0x10: {  	s8 =	simm.s32 $0x5;
	s25 =	simm.s32 $0x11400;
	s0 =	simm.s32 $0x0  }
.LBB2_12:
0x11: {  	s0 =	sadd.s32 $0x1, s0  }
0x12: {  	p0 =	sne.s32 s0, s7  }
.Ltmp1:
0x13: {  	_ = 	snop;
	(pc) =	sbr.rel @!p0 .LBB2_13-.Ltmp1, $4  }
0x14: {  	[hbm4b:s6+s3] =	stream.linear.scatter [tilespmem:s31], [sflag:$0x5], $0x4000, $0x38;
	[tilespmem:$0x16C80] =	vst v63  }
0x15: {  	_ =	swait.ge [sflag:s8], $0x4000  }
0x16: {  	[sflag:s8] =	ssyncset.done $0x0  }
0x17: {  	[sflag:s8] =	ssyncadd.s32 $0xFFFFC000  }
.LBB2_1:
0x18: {  	[tilespmem:s3], [sflag:$0x5] =	stream.linear.gather [hbm4b:s5+s3], $0x6400, $0x38;
	[tilespmem:$0x16C80] =	vst v63  }
0x19: {  	_ =	swait.ge [sflag:s8], $0x6400  }
0x1a: {  	[sflag:s8] =	ssyncset.done $0x0  }
0x1b: {  	[sflag:s8] =	ssyncadd.s32 $0xFFFF9C00  }
0x1c: {  	s2 =	simm.s32 $0x16C00;
	s1 =	rddreg [dreg:$0x2]  }
0x1d: {  	[tilespmem:s2], [sflag:$0x5] =	stream.linear.gather [hbm4b:s1+s3], $0x80, $0x38;
	[tilespmem:$0x16C80] =	vst v63  }
0x1e: {  	_ =	swait.ge [sflag:s8], $0x80  }
0x1f: {  	[sflag:s8] =	ssyncset.done $0x0  }
0x20: {  	[sflag:s8] =	ssyncadd.s32 $0xFFFFFF80  }
0x21: {  	v0 =	vld [tilespmem:$0x16C00]  }
0x22: {  	v1 =	vld [tilespmem:$0x16C10]  }
0x23: {  	v2 =	vld [tilespmem:$0x16C20]  }
0x24: {  	v3 =	vld [tilespmem:$0x16C30]  }
0x25: {  	v4 =	vld [tilespmem:$0x16C40]  }
0x26: {  	v5 =	vld [tilespmem:$0x16C50]  }
0x27: {  	s11 =	simm.s32 $0x6400;
	v6 =	vld [tilespmem:$0x16C60]  }
0x28: {  	v7 =	vld [tilespmem:$0x16C70];
	[tilespmem:s11], [sflag:$0x1] =	stream.indirect.gather [hbm4b:s4+s10], $0x40, s3, s10, $0xb8  }
0x29: {  	s13 =	simm.s32 $0x7E00  }
0x2a: {  	[tilespmem:s13], [sflag:$0x1] =	stream.indirect.gather [hbm4b:s4+s12], $0x40, s10, s12, $0xb8;
	[tilespmem:$0x16C80] =	vst v63  }
0x2b: {  	s14 =	simm.s32 $0xC8  }
0x2c: {  	[tilespmem:s15], [sflag:$0x2] =	stream.indirect.gather [hbm4b:s4+s10], $0x40, s14, s10, $0xb8;
	[tilespmem:$0x16C80] =	vst v63  }
0x2d: {  	_ = 	snop  }
0x2e: {  	[tilespmem:s17], [sflag:$0x2] =	stream.indirect.gather [hbm4b:s4+s12], $0x40, s16, s12, $0xb8;
	[tilespmem:$0x16C80] =	vst v63  }
0x2f: {  	_ = 	snop  }
0x30: {  	[tilespmem:s19], [sflag:$0x3] =	stream.indirect.gather [hbm4b:s4+s10], $0x40, s18, s10, $0xb8;
	[tilespmem:$0x16C80] =	vst v63  }
0x31: {  	_ = 	snop  }
0x32: {  	[tilespmem:s21], [sflag:$0x3] =	stream.indirect.gather [hbm4b:s4+s12], $0x40, s20, s12, $0xb8;
	[tilespmem:$0x16C80] =	vst v63  }
0x33: {  	_ = 	snop  }
0x34: {  	[tilespmem:s23], [sflag:$0x4] =	stream.indirect.gather [hbm4b:s4+s10], $0x40, s22, s10, $0xb8;
	[tilespmem:$0x16C80] =	vst v63  }
0x35: {  	s1 =	simm.s32 $0x0  }
0x36: {  	[tilespmem:s25], [sflag:$0x4] =	stream.indirect.gather [hbm4b:s4+s12], $0x40, s24, s12, $0xb8;
	[tilespmem:$0x16C80] =	vst v63  }
.LBB2_2:
0x37: {  	_ =	swait.ge [sflag:s26], $0x1A00  }
0x38: {  	[sflag:s26] =	ssyncset.done $0x0  }
0x39: {  	[sflag:s26] =	ssyncadd.s32 $0xFFFFE600  }
0x3a: {  	_ =	swait.ge [sflag:s26], $0x1800  }
0x3b: {  	[sflag:s26] =	ssyncset.done $0x0  }
0x3c: {  	s2 =	simm.s32 $0x0;
	[sflag:s26] =	ssyncadd.s32 $0xFFFFE800  }
0x3d: {  	v13 =	vld [tilespmem:s2+$0x6430]  }
0x3e: {  	v8 =	vld [tilespmem:s2+$0x6400]  }
0x3f: {  	v10 =	vld [tilespmem:s2+$0x6410]  }
0x40: {  	v12 =	vld [tilespmem:s2+$0x6420];
	_ =	sdelay $0x1  }
0x41: {  	v11 =	vimm.f32 $0.0e+00;
	s9 =	simm.s32 $0x40  }
0x42: {  	v9 =	vld [tilespmem:s9+$0x6430];
	v14 =	vand.u32 $0xFFFF0000, v13;
	v15 =	vshll.u32 v8, $0x10;
	v16 =	vand.u32 $0xFFFF0000, v8  }
0x43: {  	v18 =	vshll.u32 v10, $0x10;
	v19 =	vand.u32 $0xFFFF0000, v10;
	v17 =	vadd.f32 v15, v11;
	v15 =	vld [tilespmem:s9+$0x6400]  }
0x44: {  	v21 =	vshll.u32 v12, $0x10;
	v8 =	vadd.f32 v14, v11;
	v10 =	vadd.f32 v16, v11;
	v14 =	vld [tilespmem:s9+$0x6410]  }
0x45: {  	v22 =	vand.u32 $0xFFFF0000, v12;
	v18 =	vadd.f32 v18, v11;
	v12 =	vadd.f32 v19, v11;
	v16 =	vld [tilespmem:s9+$0x6420]  }
0x46: {  	s2 =	simm.s32 $0x200;
	v20 =	vshll.u32 v13, $0x10;
	v19 =	vadd.f32 v21, v11;
	v13 =	vadd.f32 v22, v11  }
.LBB2_3:
0x47: {  	s9 =	sshra.s32 s2, $0x2;
	p0 =	sne.s32 s2, $0xC700;
	s2 =	sadd.s32 $0x100, s2;
	v21 =	vand.u32 $0xFFFF0000, v9;
	v11 =	vadd.f32 v20, v11;
	v20 =	vshll.u32 v9, $0x10  }
.Ltmp2:
0x48: {  	v9 =	vld [tilespmem:s9+$0x6430];
	v22 =	vshll.u32 v15, $0x10;
	v23 =	vand.u32 $0xFFFF0000, v15;
	v8 =	vadd.f32 v21, v8;
	(pc) =	sbr.rel @p0 .LBB2_3-.Ltmp2, $4  }
0x49: {  	v15 =	vld [tilespmem:s9+$0x6400];
	v17 =	vadd.f32 v22, v17;
	v21 =	vshll.u32 v14, $0x10;
	v22 =	vand.u32 $0xFFFF0000, v14  }
0x4a: {  	v10 =	vadd.f32 v23, v10;
	v14 =	vld [tilespmem:s9+$0x6410];
	v23 =	vshll.u32 v16, $0x10;
	v24 =	vand.u32 $0xFFFF0000, v16  }
0x4b: {  	v18 =	vadd.f32 v21, v18;
	v12 =	vadd.f32 v22, v12;
	v16 =	vld [tilespmem:s9+$0x6420]  }
0x4c: {  	v19 =	vadd.f32 v23, v19;
	v13 =	vadd.f32 v24, v13  }
0x4d: {  	_ = 	snop  }
0x4e: {  	v11 =	vadd.f32 v20, v11;
	v21 =	vshll.u32 v15, $0x10  }
0x4f: {  	v15 =	vand.u32 $0xFFFF0000, v15;
	v17 =	vadd.f32 v21, v17;
	v21 =	vshll.u32 v14, $0x10  }
0x50: {  	v14 =	vand.u32 $0xFFFF0000, v14;
	v10 =	vadd.f32 v15, v10;
	v18 =	vadd.f32 v21, v18  }
0x51: {  	s2 =	sshll.u32 s1, $0x9;
	v20 =	vshll.u32 v16, $0x10;
	v12 =	vadd.f32 v14, v12;
	v17 =	vadd.f32 v17, v0  }
0x52: {  	s2 =	sand.u32 $0x3FFFFE00, s2;
	v21 =	vshll.u32 v9, $0x10;
	v19 =	vadd.f32 v20, v19;
	v10 =	vadd.f32 v10, v4  }
0x53: {  	v9 =	vand.u32 $0xFFFF0000, v9;
	v11 =	vadd.f32 v21, v11;
	v18 =	vadd.f32 v18, v1;
	[tilespmem:s2+$0x12C00] =	vst v17  }
0x54: {  	v16 =	vand.u32 $0xFFFF0000, v16;
	v8 =	vadd.f32 v9, v8;
	v9 =	vadd.f32 v12, v5;
	[tilespmem:s2+$0x12C40] =	vst v10  }
0x55: {  	v13 =	vadd.f32 v16, v13;
	v15 =	vadd.f32 v19, v2;
	[tilespmem:s2+$0x12C10] =	vst v18  }
0x56: {  	p0 =	seq.s32 s1, $0x1F;
	v11 =	vadd.f32 v11, v3;
	[tilespmem:s2+$0x12C50] =	vst v9  }
0x57: {  	s9 =	smul.u32 @!p0 $0xC80, s1;
	v10 =	vadd.f32 v13, v6;
	[tilespmem:s2+$0x12C20] =	vst v15  }
0x58: {  	v8 =	vadd.f32 v8, v7;
	[tilespmem:s2+$0x12C30] =	vst v11  }
0x59: {  	s9 =	sshra.s32 @!p0 s9, $0x2;
	[tilespmem:s2+$0x12C60] =	vst v10  }
0x5a: {  	s13 =	simm.s32 @!p0 $0x68;
	s14 =	simm.s32 @!p0 $0x6400;
	s11 =	sadd.s32 @!p0 $0x320, s9;
	[tilespmem:s2+$0x12C70] =	vst v8  }
0x5b: {  	[tilespmem:s14], [sflag:$0x1] =	stream.indirect.gather @!p0 [hbm4b:s4+s13], $0x40, s11, s13, $0xb8;
	[tilespmem:$0x16C80] =	vst v63  }
0x5c: {  	s11 =	sadd.s32 @!p0 $0x388, s9;
	s13 =	simm.s32 @!p0 $0x60;
	s14 =	simm.s32 @!p0 $0x7E00  }
0x5d: {  	[tilespmem:s14], [sflag:$0x1] =	stream.indirect.gather @!p0 [hbm4b:s4+s13], $0x40, s11, s13, $0xb8;
	[tilespmem:$0x16C80] =	vst v63  }
0x5e: {  	_ =	swait.ge [sflag:s28], $0x1A00  }
0x5f: {  	[sflag:s28] =	ssyncset.done $0x0  }
0x60: {  	[sflag:s28] =	ssyncadd.s32 $0xFFFFE600  }
0x61: {  	_ =	swait.ge [sflag:s28], $0x1800  }
0x62: {  	[sflag:s28] =	ssyncset.done $0x0  }
0x63: {  	s13 =	simm.s32 $0x0;
	[sflag:s28] =	ssyncadd.s32 $0xFFFFE800  }
0x64: {  	v13 =	vld [tilespmem:s13+$0x9630]  }
0x65: {  	v8 =	vld [tilespmem:s13+$0x9600]  }
0x66: {  	v11 =	vld [tilespmem:s13+$0x9610]  }
0x67: {  	v12 =	vld [tilespmem:s13+$0x9620];
	_ =	sdelay $0x1  }
0x68: {  	v10 =	vimm.f32 $0.0e+00;
	s14 =	simm.s32 $0x40  }
0x69: {  	v9 =	vld [tilespmem:s14+$0x9630];
	v14 =	vand.u32 $0xFFFF0000, v13;
	v15 =	vshll.u32 v8, $0x10;
	v16 =	vand.u32 $0xFFFF0000, v8  }
0x6a: {  	v18 =	vshll.u32 v11, $0x10;
	v19 =	vand.u32 $0xFFFF0000, v11;
	v8 =	vadd.f32 v14, v10;
	v14 =	vld [tilespmem:s14+$0x9600]  }
0x6b: {  	v21 =	vshll.u32 v12, $0x10;
	v17 =	vadd.f32 v15, v10;
	v11 =	vadd.f32 v16, v10;
	v15 =	vld [tilespmem:s14+$0x9610]  }
0x6c: {  	v22 =	vand.u32 $0xFFFF0000, v12;
	v18 =	vadd.f32 v18, v10;
	v12 =	vadd.f32 v19, v10;
	v16 =	vld [tilespmem:s14+$0x9620]  }
0x6d: {  	s11 =	simm.s32 $0x200;
	v20 =	vshll.u32 v13, $0x10;
	v19 =	vadd.f32 v21, v10;
	v13 =	vadd.f32 v22, v10  }
.LBB2_5:
0x6e: {  	s13 =	sshra.s32 s11, $0x2;
	p1 =	sne.s32 s11, $0xC700;
	s11 =	sadd.s32 $0x100, s11;
	v21 =	vand.u32 $0xFFFF0000, v9;
	v10 =	vadd.f32 v20, v10;
	v20 =	vshll.u32 v9, $0x10  }
.Ltmp3:
0x6f: {  	v9 =	vld [tilespmem:s13+$0x9630];
	v22 =	vshll.u32 v14, $0x10;
	v23 =	vand.u32 $0xFFFF0000, v14;
	v8 =	vadd.f32 v21, v8;
	(pc) =	sbr.rel @p1 .LBB2_5-.Ltmp3, $4  }
0x70: {  	v14 =	vld [tilespmem:s13+$0x9600];
	v17 =	vadd.f32 v22, v17;
	v21 =	vshll.u32 v15, $0x10;
	v22 =	vand.u32 $0xFFFF0000, v15  }
0x71: {  	v11 =	vadd.f32 v23, v11;
	v15 =	vld [tilespmem:s13+$0x9610];
	v23 =	vshll.u32 v16, $0x10;
	v24 =	vand.u32 $0xFFFF0000, v16  }
0x72: {  	v18 =	vadd.f32 v21, v18;
	v12 =	vadd.f32 v22, v12;
	v16 =	vld [tilespmem:s13+$0x9620]  }
0x73: {  	v19 =	vadd.f32 v23, v19;
	v13 =	vadd.f32 v24, v13  }
0x74: {  	_ = 	snop  }
0x75: {  	v10 =	vadd.f32 v20, v10;
	v21 =	vshll.u32 v14, $0x10  }
0x76: {  	v14 =	vand.u32 $0xFFFF0000, v14;
	v17 =	vadd.f32 v21, v17;
	v21 =	vshll.u32 v15, $0x10  }
0x77: {  	v15 =	vand.u32 $0xFFFF0000, v15;
	v11 =	vadd.f32 v14, v11;
	v18 =	vadd.f32 v21, v18  }
0x78: {  	v20 =	vshll.u32 v16, $0x10;
	v12 =	vadd.f32 v15, v12;
	v17 =	vadd.f32 v17, v0  }
0x79: {  	v21 =	vshll.u32 v9, $0x10;
	v19 =	vadd.f32 v20, v19;
	v11 =	vadd.f32 v11, v4  }
0x7a: {  	v9 =	vand.u32 $0xFFFF0000, v9;
	v10 =	vadd.f32 v21, v10;
	v18 =	vadd.f32 v18, v1;
	[tilespmem:s2+$0x12C80] =	vst v17  }
0x7b: {  	v8 =	vadd.f32 v9, v8;
	v9 =	vadd.f32 v12, v5;
	[tilespmem:s2+$0x12CC0] =	vst v11  }
0x7c: {  	v16 =	vand.u32 $0xFFFF0000, v16;
	v14 =	vadd.f32 v19, v2;
	[tilespmem:s2+$0x12C90] =	vst v18  }
0x7d: {  	v13 =	vadd.f32 v16, v13;
	v10 =	vadd.f32 v10, v3;
	[tilespmem:s2+$0x12CD0] =	vst v9  }
0x7e: {  	v8 =	vadd.f32 v8, v7;
	[tilespmem:s2+$0x12CA0] =	vst v14  }
0x7f: {  	[tilespmem:s2+$0x12CB0] =	vst v10;
	v10 =	vadd.f32 v13, v6  }
0x80: {  	[tilespmem:s2+$0x12CF0] =	vst v8  }
0x81: {  	s11 =	sadd.s32 @!p0 $0x3E8, s9;
	s13 =	simm.s32 @!p0 $0x68;
	s14 =	simm.s32 @!p0 $0x9600;
	[tilespmem:s2+$0x12CE0] =	vst v10  }
0x82: {  	[tilespmem:s14], [sflag:$0x2] =	stream.indirect.gather @!p0 [hbm4b:s4+s13], $0x40, s11, s13, $0xb8;
	[tilespmem:$0x16C80] =	vst v63  }
0x83: {  	s11 =	sadd.s32 @!p0 $0x450, s9;
	s13 =	simm.s32 @!p0 $0x60;
	s14 =	simm.s32 @!p0 $0xB000  }
0x84: {  	[tilespmem:s14], [sflag:$0x2] =	stream.indirect.gather @!p0 [hbm4b:s4+s13], $0x40, s11, s13, $0xb8;
	[tilespmem:$0x16C80] =	vst v63  }
0x85: {  	_ =	swait.ge [sflag:s29], $0x1A00  }
0x86: {  	[sflag:s29] =	ssyncset.done $0x0  }
0x87: {  	[sflag:s29] =	ssyncadd.s32 $0xFFFFE600  }
0x88: {  	_ =	swait.ge [sflag:s29], $0x1800  }
0x89: {  	[sflag:s29] =	ssyncset.done $0x0  }
0x8a: {  	s13 =	simm.s32 $0x0;
	[sflag:s29] =	ssyncadd.s32 $0xFFFFE800  }
0x8b: {  	v13 =	vld [tilespmem:s13+$0xC830]  }
0x8c: {  	v8 =	vld [tilespmem:s13+$0xC800]  }
0x8d: {  	v11 =	vld [tilespmem:s13+$0xC810]  }
0x8e: {  	v12 =	vld [tilespmem:s13+$0xC820];
	_ =	sdelay $0x1  }
0x8f: {  	v10 =	vimm.f32 $0.0e+00;
	s14 =	simm.s32 $0x40  }
0x90: {  	v9 =	vld [tilespmem:s14+$0xC830];
	v14 =	vand.u32 $0xFFFF0000, v13;
	v15 =	vshll.u32 v8, $0x10;
	v16 =	vand.u32 $0xFFFF0000, v8  }
0x91: {  	v18 =	vshll.u32 v11, $0x10;
	v19 =	vand.u32 $0xFFFF0000, v11;
	v8 =	vadd.f32 v14, v10;
	v14 =	vld [tilespmem:s14+$0xC800]  }
0x92: {  	v21 =	vshll.u32 v12, $0x10;
	v17 =	vadd.f32 v15, v10;
	v11 =	vadd.f32 v16, v10;
	v15 =	vld [tilespmem:s14+$0xC810]  }
0x93: {  	v22 =	vand.u32 $0xFFFF0000, v12;
	v18 =	vadd.f32 v18, v10;
	v12 =	vadd.f32 v19, v10;
	v16 =	vld [tilespmem:s14+$0xC820]  }
0x94: {  	s11 =	simm.s32 $0x200;
	v20 =	vshll.u32 v13, $0x10;
	v19 =	vadd.f32 v21, v10;
	v13 =	vadd.f32 v22, v10  }
.LBB2_7:
0x95: {  	s13 =	sshra.s32 s11, $0x2;
	p1 =	sne.s32 s11, $0xC700;
	s11 =	sadd.s32 $0x100, s11;
	v21 =	vand.u32 $0xFFFF0000, v9;
	v10 =	vadd.f32 v20, v10;
	v20 =	vshll.u32 v9, $0x10  }
.Ltmp4:
0x96: {  	v9 =	vld [tilespmem:s13+$0xC830];
	v22 =	vshll.u32 v14, $0x10;
	v23 =	vand.u32 $0xFFFF0000, v14;
	v8 =	vadd.f32 v21, v8;
	(pc) =	sbr.rel @p1 .LBB2_7-.Ltmp4, $4  }
0x97: {  	v14 =	vld [tilespmem:s13+$0xC800];
	v17 =	vadd.f32 v22, v17;
	v21 =	vshll.u32 v15, $0x10;
	v22 =	vand.u32 $0xFFFF0000, v15  }
0x98: {  	v11 =	vadd.f32 v23, v11;
	v15 =	vld [tilespmem:s13+$0xC810];
	v23 =	vshll.u32 v16, $0x10;
	v24 =	vand.u32 $0xFFFF0000, v16  }
0x99: {  	v18 =	vadd.f32 v21, v18;
	v12 =	vadd.f32 v22, v12;
	v16 =	vld [tilespmem:s13+$0xC820]  }
0x9a: {  	v19 =	vadd.f32 v23, v19;
	v13 =	vadd.f32 v24, v13  }
0x9b: {  	_ = 	snop  }
0x9c: {  	v10 =	vadd.f32 v20, v10;
	v21 =	vshll.u32 v14, $0x10  }
0x9d: {  	v14 =	vand.u32 $0xFFFF0000, v14;
	v17 =	vadd.f32 v21, v17;
	v21 =	vshll.u32 v15, $0x10  }
0x9e: {  	v15 =	vand.u32 $0xFFFF0000, v15;
	v11 =	vadd.f32 v14, v11;
	v18 =	vadd.f32 v21, v18  }
0x9f: {  	v20 =	vshll.u32 v16, $0x10;
	v12 =	vadd.f32 v15, v12;
	v17 =	vadd.f32 v17, v0  }
0xa0: {  	v21 =	vshll.u32 v9, $0x10;
	v19 =	vadd.f32 v20, v19;
	v11 =	vadd.f32 v11, v4  }
0xa1: {  	v9 =	vand.u32 $0xFFFF0000, v9;
	v10 =	vadd.f32 v21, v10;
	v18 =	vadd.f32 v18, v1;
	[tilespmem:s2+$0x12D00] =	vst v17  }
0xa2: {  	v8 =	vadd.f32 v9, v8;
	v9 =	vadd.f32 v12, v5;
	[tilespmem:s2+$0x12D40] =	vst v11  }
0xa3: {  	v16 =	vand.u32 $0xFFFF0000, v16;
	v14 =	vadd.f32 v19, v2;
	[tilespmem:s2+$0x12D10] =	vst v18  }
0xa4: {  	v13 =	vadd.f32 v16, v13;
	v10 =	vadd.f32 v10, v3;
	[tilespmem:s2+$0x12D50] =	vst v9  }
0xa5: {  	v8 =	vadd.f32 v8, v7;
	[tilespmem:s2+$0x12D20] =	vst v14  }
0xa6: {  	[tilespmem:s2+$0x12D30] =	vst v10;
	v10 =	vadd.f32 v13, v6  }
0xa7: {  	[tilespmem:s2+$0x12D70] =	vst v8  }
0xa8: {  	s11 =	sadd.s32 @!p0 $0x4B0, s9;
	s13 =	simm.s32 @!p0 $0x68;
	s14 =	simm.s32 @!p0 $0xC800;
	[tilespmem:s2+$0x12D60] =	vst v10  }
0xa9: {  	[tilespmem:s14], [sflag:$0x3] =	stream.indirect.gather @!p0 [hbm4b:s4+s13], $0x40, s11, s13, $0xb8;
	[tilespmem:$0x16C80] =	vst v63  }
0xaa: {  	s9 =	sadd.s32 @!p0 $0x518, s9;
	s11 =	simm.s32 @!p0 $0x60;
	s13 =	simm.s32 @!p0 $0xE200  }
0xab: {  	[tilespmem:s13], [sflag:$0x3] =	stream.indirect.gather @!p0 [hbm4b:s4+s11], $0x40, s9, s11, $0xb8;
	[tilespmem:$0x16C80] =	vst v63  }
0xac: {  	_ =	swait.ge [sflag:s30], $0x1A00  }
0xad: {  	[sflag:s30] =	ssyncset.done $0x0  }
0xae: {  	[sflag:s30] =	ssyncadd.s32 $0xFFFFE600  }
0xaf: {  	_ =	swait.ge [sflag:s30], $0x1800  }
0xb0: {  	[sflag:s30] =	ssyncset.done $0x0  }
0xb1: {  	s13 =	simm.s32 $0x0;
	[sflag:s30] =	ssyncadd.s32 $0xFFFFE800  }
0xb2: {  	v13 =	vld [tilespmem:s13+$0xFA30]  }
0xb3: {  	v8 =	vld [tilespmem:s13+$0xFA00]  }
0xb4: {  	v11 =	vld [tilespmem:s13+$0xFA10]  }
0xb5: {  	v12 =	vld [tilespmem:s13+$0xFA20];
	_ =	sdelay $0x1  }
0xb6: {  	v10 =	vimm.f32 $0.0e+00;
	s14 =	simm.s32 $0x40  }
0xb7: {  	v9 =	vld [tilespmem:s14+$0xFA30];
	v14 =	vand.u32 $0xFFFF0000, v13;
	v15 =	vshll.u32 v8, $0x10;
	v16 =	vand.u32 $0xFFFF0000, v8  }
0xb8: {  	v18 =	vshll.u32 v11, $0x10;
	v19 =	vand.u32 $0xFFFF0000, v11;
	v8 =	vadd.f32 v14, v10;
	v14 =	vld [tilespmem:s14+$0xFA00]  }
0xb9: {  	v21 =	vshll.u32 v12, $0x10;
	v17 =	vadd.f32 v15, v10;
	v11 =	vadd.f32 v16, v10;
	v15 =	vld [tilespmem:s14+$0xFA10]  }
0xba: {  	v22 =	vand.u32 $0xFFFF0000, v12;
	v18 =	vadd.f32 v18, v10;
	v12 =	vadd.f32 v19, v10;
	v16 =	vld [tilespmem:s14+$0xFA20]  }
0xbb: {  	s9 =	simm.s32 $0x200;
	v20 =	vshll.u32 v13, $0x10;
	v19 =	vadd.f32 v21, v10;
	v13 =	vadd.f32 v22, v10  }
.LBB2_9:
0xbc: {  	s11 =	sshra.s32 s9, $0x2;
	p1 =	sne.s32 s9, $0xC700;
	s9 =	sadd.s32 $0x100, s9;
	v21 =	vand.u32 $0xFFFF0000, v9;
	v10 =	vadd.f32 v20, v10;
	v20 =	vshll.u32 v9, $0x10  }
.Ltmp5:
0xbd: {  	v9 =	vld [tilespmem:s11+$0xFA30];
	v22 =	vshll.u32 v14, $0x10;
	v23 =	vand.u32 $0xFFFF0000, v14;
	v8 =	vadd.f32 v21, v8;
	(pc) =	sbr.rel @p1 .LBB2_9-.Ltmp5, $4  }
0xbe: {  	v14 =	vld [tilespmem:s11+$0xFA00];
	v17 =	vadd.f32 v22, v17;
	v21 =	vshll.u32 v15, $0x10;
	v22 =	vand.u32 $0xFFFF0000, v15  }
0xbf: {  	v11 =	vadd.f32 v23, v11;
	v15 =	vld [tilespmem:s11+$0xFA10];
	v23 =	vshll.u32 v16, $0x10;
	v24 =	vand.u32 $0xFFFF0000, v16  }
0xc0: {  	v18 =	vadd.f32 v21, v18;
	v12 =	vadd.f32 v22, v12;
	v16 =	vld [tilespmem:s11+$0xFA20]  }
0xc1: {  	v19 =	vadd.f32 v23, v19;
	v13 =	vadd.f32 v24, v13  }
0xc2: {  	v61 =	vand.u32 $0xFFFF0000, v9  }
0xc3: {  	v10 =	vadd.f32 v20, v10;
	v21 =	vshll.u32 v14, $0x10;
	v8 =	vadd.f32 v61, v8  }
0xc4: {  	v56 =	vshll.u32 v9, $0x10;
	v17 =	vadd.f32 v21, v17  }
0xc5: {  	v57 =	vand.u32 $0xFFFF0000, v14;
	v10 =	vadd.f32 v56, v10;
	v8 =	vadd.f32 v8, v7  }
0xc6: {  	v54 =	vshll.u32 v15, $0x10;
	v11 =	vadd.f32 v57, v11;
	v17 =	vadd.f32 v17, v0  }
0xc7: {  	v58 =	vand.u32 $0xFFFF0000, v15;
	v18 =	vadd.f32 v54, v18;
	v10 =	vadd.f32 v10, v3;
	[tilespmem:s2+$0x12DF0] =	vst v8  }
0xc8: {  	v55 =	vshll.u32 v16, $0x10;
	v12 =	vadd.f32 v58, v12;
	v11 =	vadd.f32 v11, v4;
	[tilespmem:s2+$0x12D80] =	vst v17  }
0xc9: {  	v60 =	vand.u32 $0xFFFF0000, v16;
	v19 =	vadd.f32 v55, v19;
	v18 =	vadd.f32 v18, v1;
	[tilespmem:s2+$0x12DB0] =	vst v10  }
.Ltmp6:
0xca: {  	v13 =	vadd.f32 v60, v13;
	v62 =	vadd.f32 v12, v5;
	[tilespmem:s2+$0x12DC0] =	vst v11;
	(pc) =	sbr.rel @p0 .LBB2_12-.Ltmp6, $4  }
0xcb: {  	v59 =	vadd.f32 v19, v2;
	[tilespmem:s2+$0x12D90] =	vst v18  }
0xcc: {  	v63 =	vadd.f32 v13, v6;
	[tilespmem:s2+$0x12DD0] =	vst v62  }
0xcd: {  	[tilespmem:s2+$0x12DA0] =	vst v59  }
0xce: {  	[tilespmem:s2+$0x12DE0] =	vst v63  }
0xcf: {  	s2 =	smul.u32 $0xC80, s1;
	_ =	sdelay $0x1  }
.Ltmp7:
0xd0: {  	s2 =	sshra.s32 s2, $0x2;
	(pc) =	sbr.rel .LBB2_2-.Ltmp7, $4  }
0xd1: {  	s9 =	sadd.s32 $0x578, s2  }
0xd2: {  	[tilespmem:s23], [sflag:$0x4] =	stream.indirect.gather [hbm4b:s4+s10], $0x40, s9, s10, $0xb8;
	[tilespmem:$0x16C80] =	vst v63  }
0xd3: {  	s1 =	sadd.s32 $0x1, s1;
	s2 =	sadd.s32 $0x5E0, s2  }
0xd4: {  	[tilespmem:s25], [sflag:$0x4] =	stream.indirect.gather [hbm4b:s4+s12], $0x40, s2, s12, $0xb8;
	[tilespmem:$0x16C80] =	vst v63  }
.LBB2_13:
0xd5: {  	_ =	sfence.sel $0x180000  }
0xd6: {  	[bflag:$0x0] =	sbarrier.arrive $0xFFFF  }
0xd7: {  	_ =	strace $0x90000047  }
0xd8: {  	s0 =	stileid.u32;
	[bflag:$0x2] =	sbarrier.arrive $0xFFFF  }
0xd9: {  	p0 =	sne.s32 s0, $0x0;
	s0 =	rddreg [dreg:$0x4]  }
0xda: {  	s0 =	sadd.s32 @!p0 $0x100000, s0  }
0xdb: {  	[sflag:s0] =	ssyncadd.tile.s32 @!p0 $0x1;
	_ =	shalt  }
.Lfunc_end2:
_tile_overlayer_lowered:
.L_overlay_start_2:
0xdc: {  	(tag) =	ssettag $0x2  }
0xdd: {  	s0 =	rddreg [dreg:$0x0];
	s2 =	stileid.u32  }
0xde: {  	s1 =	rddreg [dreg:$0x1];
	p0 =	sne.s32 s2, $0x0  }
0xdf: {  	s3 =	rddreg [dreg:$0x2];
	[bflag:$0x3] =	sbarrier.arrive $0xFFFF;
	s2 =	simm.s32 @!p0 $0x1C05  }
0xe0: {  	[timem:s3], [sflag:s2] =	dma.local @!p0 [hbm:s0], s1  }
0xe1: {  	s0 =	simm.s32 @!p0 $0x5  }
0xe2: {  	_ =	swait.ge @!p0 [sflag:s0], s1  }
0xe3: {  	s1 =	ssub.s32 @!p0 $0x0, s1;
	[sflag:s0] =	ssyncset.done @!p0 $0x0  }
0xe4: {  	[sflag:s0] =	ssyncadd.s32 @!p0 s1  }
0xe5: {  	[bflag:$0x3] =	sbarrier.arrive $0xFFFF  }
0xe6: {  	_ =	shalt  }

</sc_bundles>
